<compile_context>
chip_gen: v7x
topology: tpu7x:2x2x1
jax: 0.10.2.dev20260603
libtpu: 0.0.44.dev20260713+nightly
codegen_flags: <defaults>
</compile_context>

<pallas_src>
import functools

import jax
import jax.numpy as jnp
from jax import lax
from jax.experimental import pallas as pl
from jax.experimental.pallas import tpu as pltpu
from jax.experimental.pallas import tpu_sc as plsc

N = 10000
E = 320000
D = 128
C = 2

NC = 2
NS = 16
NW = NC * NS
CHUNK = 128
CHUNKS = 80
DST_BLK = 8
EPW = CHUNK * CHUNKS
E_PAD = EPW * NW
N_ACC = 10240
ROWS_PER_TILE = N_ACC // NS
DEGW = 128

_sc_mesh = plsc.VectorSubcoreMesh(core_axis_name="c", subcore_axis_name="s")


@functools.partial(
    pl.kernel,
    out_type=jax.ShapeDtypeStruct((NC, N_ACC, DEGW), jnp.float32),
    mesh=_sc_mesh,
    scratch_types=[
        pltpu.VMEM((CHUNKS, CHUNK), jnp.int32),
        pltpu.VMEM((CHUNK, DEGW), jnp.float32),
        pltpu.VMEM_SHARED((N_ACC, DEGW), jnp.float32),
    ],
)
def _sc_degree(dstb_hbm, ones_hbm, zrows_hbm, out_hbm, idx_v, ones_v, acc_s):
    cid = lax.axis_index("c")
    sid = lax.axis_index("s")
    wid = sid * NC + cid
    base = sid * ROWS_PER_TILE
    pltpu.sync_copy(zrows_hbm, acc_s.at[pl.ds(base, ROWS_PER_TILE)])
    pltpu.sync_copy(ones_hbm, ones_v)
    pltpu.sync_copy(dstb_hbm.at[wid], idx_v)
    plsc.subcore_barrier()

    def body(g, carry):
        pltpu.sync_copy(ones_v, acc_s.at[idx_v.at[g]], add=True)
        return carry

    lax.fori_loop(0, CHUNKS, body, 0)
    plsc.subcore_barrier()
    pltpu.sync_copy(acc_s.at[pl.ds(base, ROWS_PER_TILE)],
                    out_hbm.at[cid, pl.ds(base, ROWS_PER_TILE)])


GCH = 32
GPS = CHUNK // GCH
CH_A = 80
CH_B = 2 * CHUNKS - CH_A
CH_MAX = max(CH_A, CH_B)
TOTAL_CH = E_PAD // CHUNK


@functools.partial(
    pl.kernel,
    out_type=jax.ShapeDtypeStruct((NC, N_ACC, D), jnp.float32),
    mesh=_sc_mesh,
    scratch_types=[
        pltpu.VMEM((CH_MAX, CHUNK), jnp.int32),
        pltpu.VMEM((DST_BLK, CHUNK), jnp.int32),
        pltpu.VMEM((2 * CHUNK, D), jnp.float32),
        pltpu.VMEM_SHARED((N_ACC, D), jnp.float32),
        pltpu.SemaphoreType.DMA,
        pltpu.SemaphoreType.DMA,
    ],
)
def _sc_edges(srcb_hbm, dstb_hbm, u_hbm, zrows_hbm, out_hbm,
              src_v, dst_v, rows_v, acc_s, sem0, sem1):
    cid = lax.axis_index("c")
    sid = lax.axis_index("s")
    base = sid * ROWS_PER_TILE
    nch = jnp.where(cid == 0, CH_A, CH_B)
    base_ch = pl.multiple_of(
        jnp.where(cid == 0, sid * CH_A, NS * CH_A + sid * CH_B), DST_BLK)
    pltpu.sync_copy(zrows_hbm, acc_s.at[pl.ds(base, ROWS_PER_TILE)])
    pltpu.sync_copy(srcb_hbm.at[pl.ds(base_ch, CH_MAX)], src_v)
    plsc.subcore_barrier()

    def _fire(p, half, sem):
        for j in range(GPS):
            pltpu.async_copy(
                u_hbm.at[src_v.at[p, pl.ds(j * GCH, GCH)]],
                rows_v.at[pl.ds(half * CHUNK + j * GCH, GCH)], sem)

    def _drain_scatter(p, half, sem):
        for j in range(GPS):
            pltpu.make_async_copy(
                u_hbm.at[src_v.at[p, pl.ds(j * GCH, GCH)]],
                rows_v.at[pl.ds(half * CHUNK + j * GCH, GCH)], sem).wait()
        pltpu.sync_copy(rows_v.at[pl.ds(half * CHUNK, CHUNK)],
                        acc_s.at[dst_v.at[p % DST_BLK]], add=True)

    _fire(0, 0, sem0)
    _fire(1, 1, sem1)

    def body(p, carry):
        @pl.when(p % DST_BLK == 0)
        def _():
            pltpu.sync_copy(
                dstb_hbm.at[pl.ds(base_ch + (p // DST_BLK) * DST_BLK,
                                  DST_BLK)], dst_v)

        @pl.when(p % 2 == 0)
        def _():
            _drain_scatter(p, 0, sem0)

            @pl.when(p + 2 < nch)
            def _():
                _fire(p + 2, 0, sem0)

        @pl.when(p % 2 == 1)
        def _():
            _drain_scatter(p, 1, sem1)

            @pl.when(p + 2 < nch)
            def _():
                _fire(p + 2, 1, sem1)

        return carry

    lax.fori_loop(0, nch, body, 0)
    plsc.subcore_barrier()
    pltpu.sync_copy(acc_s.at[pl.ds(base, ROWS_PER_TILE)],
                    out_hbm.at[cid, pl.ds(base, ROWS_PER_TILE)])


def _evolve_body(w0_ref, wi_ref, wh_ref, b_ref, pw_ref, m_ref):
    w0 = w0_ref[...]
    gates = (lax.dot_general(w0, wi_ref[...], (((1,), (1,)), ((), ())),
                             preferred_element_type=jnp.float32)
             + lax.dot_general(w0, wh_ref[...], (((1,), (1,)), ((), ())),
                               preferred_element_type=jnp.float32)
             + b_ref[...])
    ii = jax.nn.sigmoid(gates[:, 0:D])
    ff = jax.nn.sigmoid(gates[:, D:2 * D])
    gg = jnp.tanh(gates[:, 2 * D:3 * D])
    oo = jax.nn.sigmoid(gates[:, 3 * D:4 * D])
    cc = ff * w0 + ii * gg
    w_new = oo * jnp.tanh(cc)
    m_ref[...] = jnp.dot(w_new, pw_ref[...], preferred_element_type=jnp.float32)


_tc_evolve = pl.pallas_call(
    _evolve_body,
    out_shape=jax.ShapeDtypeStruct((D, D), jnp.float32),
)


BM = 1000


def _prep_body(x_ref, m_ref, degp_ref, u_ref):
    z = jnp.dot(x_ref[...], m_ref[...], preferred_element_type=jnp.float32)
    deg = degp_ref[0, :, 0:1] + degp_ref[1, :, 0:1] + 1.0
    dinv = lax.rsqrt(deg)
    u_ref[...] = z * dinv


_tc_prep = pl.pallas_call(
    _prep_body,
    grid=(N // BM,),
    in_specs=[
        pl.BlockSpec((BM, D), lambda i: (i, 0)),
        pl.BlockSpec((D, D), lambda i: (0, 0)),
        pl.BlockSpec((NC, BM, DEGW), lambda i: (0, i, 0)),
    ],
    out_specs=pl.BlockSpec((BM, D), lambda i: (i, 0)),
    out_shape=jax.ShapeDtypeStruct((N, D), jnp.float32),
)


def _final_body(s_ref, u_ref, degp_ref, pb_ref, cw_ref, cb_ref, out_ref):
    u = u_ref[...]
    s = s_ref[0] + s_ref[1] + u
    deg = degp_ref[0, :, 0:1] + degp_ref[1, :, 0:1] + 1.0
    dinv = lax.rsqrt(deg)
    h = jnp.maximum(s * dinv + pb_ref[...], 0.0)
    out_ref[...] = (jnp.dot(h, cw_ref[...], preferred_element_type=jnp.float32)
                    + cb_ref[...])


_tc_final = pl.pallas_call(
    _final_body,
    grid=(N // BM,),
    in_specs=[
        pl.BlockSpec((NC, BM, D), lambda i: (0, i, 0)),
        pl.BlockSpec((BM, D), lambda i: (i, 0)),
        pl.BlockSpec((NC, BM, DEGW), lambda i: (0, i, 0)),
        pl.BlockSpec((1, D), lambda i: (0, 0)),
        pl.BlockSpec((D, C), lambda i: (0, 0)),
        pl.BlockSpec((1, C), lambda i: (0, 0)),
    ],
    out_specs=pl.BlockSpec((BM, C), lambda i: (i, 0)),
    out_shape=jax.ShapeDtypeStruct((N, C), jnp.float32),
)


def kernel(x, edge_index, W0, Wi, Wh, bi, bh, proj_W, proj_b, cls_W, cls_b):
    src = edge_index[0]
    dst = edge_index[1]
    pad = E_PAD - E
    srcb = jnp.concatenate([src, jnp.zeros((pad,), jnp.int32)]).reshape(
        TOTAL_CH, CHUNK)
    dstb = jnp.concatenate([dst, jnp.full((pad,), N, jnp.int32)]).reshape(
        TOTAL_CH, CHUNK)
    dstb3 = dstb.reshape(NW, CHUNKS, CHUNK)

    ones_rows = jnp.ones((CHUNK, DEGW), jnp.float32)
    zeros_rows = jnp.zeros((ROWS_PER_TILE, D), jnp.float32)

    degp = _sc_degree(dstb3, ones_rows, zeros_rows)
    m = _tc_evolve(W0, Wi, Wh, (bi + bh).reshape(1, 4 * D), proj_W)
    u = _tc_prep(x, m, degp)
    s = _sc_edges(srcb, dstb, u, zeros_rows)
    return _tc_final(s, u, degp, proj_b.reshape(1, D), cls_W,
                     cls_b.reshape(1, C))

# --- scband reference (transcript-rebuilt; emitter-appended) ---
"""Pipeline reference for scband-evolve-gcnclassifier-15144054685719 (READ-ONLY COPY).

The authoritative reference and input builder live on the scoring server;
editing this copy changes nothing except your own understanding.
"""

import jax, jax.numpy as jnp
import numpy as np

N = 10000
E = 320000
D = 128   # in_channels
H = 128   # hidden_channels
C = 2     # out_channels


def setup_inputs(seed: int = 0) -> dict:
    key = jax.random.key(seed)
    ks = jax.random.split(key, 12)
    x = jax.random.normal(ks[0], (N, D), dtype=jnp.float32)
    edge_index = jax.random.randint(ks[1], (2, E), 0, N, dtype=jnp.int32)
    # EvolveGCNO initial GCN weight (evolved by an LSTM cell each call)
    W0 = jax.random.normal(ks[2], (D, D), dtype=jnp.float32) * (1.0 / np.sqrt(D))
    # torch.nn.LSTM params (input_size=D, hidden_size=D), gate order i, f, g, o
    Wi = jax.random.normal(ks[3], (4 * D, D), dtype=jnp.float32) * (1.0 / np.sqrt(D))
    Wh = jax.random.normal(ks[4], (4 * D, D), dtype=jnp.float32) * (1.0 / np.sqrt(D))
    bi = jnp.zeros((4 * D,), dtype=jnp.float32)
    bh = jnp.zeros((4 * D,), dtype=jnp.float32)
    proj_W = jax.random.normal(ks[5], (D, H), dtype=jnp.float32) * (1.0 / np.sqrt(D))
    proj_b = jnp.zeros((H,), dtype=jnp.float32)
    cls_W = jax.random.normal(ks[6], (H, C), dtype=jnp.float32) * (1.0 / np.sqrt(H))
    cls_b = jnp.zeros((C,), dtype=jnp.float32)
    return {"x": x, "edge_index": edge_index, "W0": W0, "Wi": Wi, "Wh": Wh,
            "bi": bi, "bh": bh, "proj_W": proj_W, "proj_b": proj_b,
            "cls_W": cls_W, "cls_b": cls_b}


def _evolve_weight(W0, Wi, Wh, bi, bh):
    # EvolveGCN-O: one LSTM step where input = hidden = cell = current weight.
    # W0 rows are the batch dim of the LSTM (seq_len=1).
    gates = W0 @ Wi.T + bi + W0 @ Wh.T + bh  # [D, 4D]
    i, f, g, o = jnp.split(gates, 4, axis=1)
    i = jax.nn.sigmoid(i)
    f = jax.nn.sigmoid(f)
    g = jnp.tanh(g)
    o = jax.nn.sigmoid(o)
    c = f * W0 + i * g
    return o * jnp.tanh(c)  # new weight [D, D]


def _gcn_fixed_w(x, W, edge_index, n_nodes):
    xw = x @ W
    src = edge_index[0]
    dst = edge_index[1]
    loop = jnp.arange(n_nodes, dtype=src.dtype)
    src = jnp.concatenate([src, loop])
    dst = jnp.concatenate([dst, loop])
    deg = jnp.zeros((n_nodes,), dtype=xw.dtype).at[dst].add(1.0)
    dinv = jax.lax.rsqrt(jnp.maximum(deg, 1e-12))
    coef = dinv[src] * dinv[dst]  # [E+N]
    msgs = xw[src] * coef[:, None]  # gather (SparseCore)
    out = jnp.zeros_like(xw).at[dst].add(msgs)  # scatter-add (SparseCore)
    return out


def reference(x, edge_index, W0, Wi, Wh, bi, bh, proj_W, proj_b, cls_W, cls_b):
    W = _evolve_weight(W0, Wi, Wh, bi, bh)
    h = _gcn_fixed_w(x, W, edge_index, x.shape[0])
    h = jax.nn.relu(h @ proj_W + proj_b)
    # dropout is identity at inference (training=False)
    out = h @ cls_W + cls_b
    return out

if __name__ == "__main__":
    import jax
    _d = setup_inputs()
    print(jax.jit(kernel)(*tuple(_d.values())))

</pallas_src>

<mosaic_0001>
#map = affine_map<(d0, d1) -> (0, 0, 0)>
#map1 = affine_map<(d0, d1) -> (0, 0)>
module attributes {stable_mosaic.version = 14 : i64} {
  func.func @_sc_degree(%arg0: i32, %arg1: i32, %arg2: memref<32x80x128xi32, #tpu.memory_space<hbm>>, %arg3: memref<128x128xf32, #tpu.memory_space<hbm>>, %arg4: memref<640x128xf32, #tpu.memory_space<hbm>>, %arg5: memref<2x10240x128xf32, #tpu.memory_space<hbm>>, %arg6: memref<80x128xi32, #tpu.memory_space<vmem>>, %arg7: memref<128x128xf32, #tpu.memory_space<vmem>>, %arg8: memref<10240x128xf32, #tpu.memory_space<vmem_shared>>) attributes {dimension_semantics = [#tpu.dimension_semantics<core_parallel>, #tpu.dimension_semantics<subcore_parallel>], iteration_bounds = array<i64: 2, 16>, scalar_prefetch = 0 : i64, scratch_operands = 3 : i64, tpu.core_type = #tpu.core_type<sc_vector_subcore>, window_params = [{transform_indices = #map}, {transform_indices = #map1}, {transform_indices = #map1}, {transform_indices = #map}]} {
    %mul3A = arith.constant 2 : i32
    %mul3A_0 = arith.muli %arg1, %mul3A : i32
    %add3A = arith.addi %mul3A_0, %arg0 : i32
    %mul3A_1 = arith.constant 640 : i32
    %mul3A_2 = arith.muli %arg1, %mul3A_1 : i32
    "tpu.region"() ({
      %run_scoped3A = tpu.sem_alloc : memref<!tpu.dma_semaphore, #tpu.memory_space<semaphore_mem>>
      %dma_start3A = arith.constant 0 : i32
      %dma_start3A_9 = tpu.memref_slice %arg8[%mul3A_2, %dma_start3A] : memref<10240x128xf32, #tpu.memory_space<vmem_shared>> -> memref<640x128xf32, #tpu.memory_space<vmem_shared>>
      tpu.enqueue_dma source(%arg4 : memref<640x128xf32, #tpu.memory_space<hbm>>) target(%dma_start3A_9 : memref<640x128xf32, #tpu.memory_space<vmem_shared>>) target_semaphore(%run_scoped3A : memref<!tpu.dma_semaphore, #tpu.memory_space<semaphore_mem>>)
      %dma_wait3A = arith.constant 0 : i32
      %dma_wait3A_10 = tpu.memref_slice %arg8[%mul3A_2, %dma_wait3A] : memref<10240x128xf32, #tpu.memory_space<vmem_shared>> -> memref<640x128xf32, #tpu.memory_space<vmem_shared>>
      tpu.wait_dma2 semaphore(%run_scoped3A : memref<!tpu.dma_semaphore, #tpu.memory_space<semaphore_mem>>) src(%arg4 : memref<640x128xf32, #tpu.memory_space<hbm>>) dst(%dma_wait3A_10 : memref<640x128xf32, #tpu.memory_space<vmem_shared>>)
      tpu.yield
    }) : () -> ()
    "tpu.region"() ({
      %run_scoped3A = tpu.sem_alloc : memref<!tpu.dma_semaphore, #tpu.memory_space<semaphore_mem>>
      tpu.enqueue_dma source(%arg3 : memref<128x128xf32, #tpu.memory_space<hbm>>) target(%arg7 : memref<128x128xf32, #tpu.memory_space<vmem>>) target_semaphore(%run_scoped3A : memref<!tpu.dma_semaphore, #tpu.memory_space<semaphore_mem>>)
      tpu.wait_dma2 semaphore(%run_scoped3A : memref<!tpu.dma_semaphore, #tpu.memory_space<semaphore_mem>>) src(%arg3 : memref<128x128xf32, #tpu.memory_space<hbm>>) dst(%arg7 : memref<128x128xf32, #tpu.memory_space<vmem>>)
      tpu.yield
    }) : () -> ()
    "tpu.region"() ({
      %run_scoped3A = tpu.sem_alloc : memref<!tpu.dma_semaphore, #tpu.memory_space<semaphore_mem>>
      %dma_start3A = arith.constant 0 : i32
      %dma_start3A_9 = arith.constant 0 : i32
      %dma_start3A_10 = tpu.memref_slice %arg2[%add3A, %dma_start3A, %dma_start3A_9] : memref<32x80x128xi32, #tpu.memory_space<hbm>> -> memref<1x80x128xi32, #tpu.memory_space<hbm>>
      %dma_start3A_11 = tpu.memref_squeeze %dma_start3A_10 : memref<1x80x128xi32, #tpu.memory_space<hbm>> -> memref<80x128xi32, #tpu.memory_space<hbm>>
      %dma_start3A_12 = arith.constant 0 : i32
      %dma_start3A_13 = arith.constant 0 : i32
      %dma_start3A_14 = tpu.memref_slice %arg2[%add3A, %dma_start3A_12, %dma_start3A_13] : memref<32x80x128xi32, #tpu.memory_space<hbm>> -> memref<1x80x128xi32, #tpu.memory_space<hbm>>
      %dma_start3A_15 = tpu.memref_squeeze %dma_start3A_14 : memref<1x80x128xi32, #tpu.memory_space<hbm>> -> memref<80x128xi32, #tpu.memory_space<hbm>>
      tpu.enqueue_dma source(%dma_start3A_15 : memref<80x128xi32, #tpu.memory_space<hbm>>) target(%arg6 : memref<80x128xi32, #tpu.memory_space<vmem>>) target_semaphore(%run_scoped3A : memref<!tpu.dma_semaphore, #tpu.memory_space<semaphore_mem>>)
      %dma_wait3A = arith.constant 0 : i32
      %dma_wait3A_16 = arith.constant 0 : i32
      %dma_wait3A_17 = tpu.memref_slice %arg2[%add3A, %dma_wait3A, %dma_wait3A_16] : memref<32x80x128xi32, #tpu.memory_space<hbm>> -> memref<1x80x128xi32, #tpu.memory_space<hbm>>
      %dma_wait3A_18 = tpu.memref_squeeze %dma_wait3A_17 : memref<1x80x128xi32, #tpu.memory_space<hbm>> -> memref<80x128xi32, #tpu.memory_space<hbm>>
      %dma_wait3A_19 = arith.constant 0 : i32
      %dma_wait3A_20 = arith.constant 0 : i32
      %dma_wait3A_21 = tpu.memref_slice %arg2[%add3A, %dma_wait3A_19, %dma_wait3A_20] : memref<32x80x128xi32, #tpu.memory_space<hbm>> -> memref<1x80x128xi32, #tpu.memory_space<hbm>>
      %dma_wait3A_22 = tpu.memref_squeeze %dma_wait3A_21 : memref<1x80x128xi32, #tpu.memory_space<hbm>> -> memref<80x128xi32, #tpu.memory_space<hbm>>
      tpu.wait_dma2 semaphore(%run_scoped3A : memref<!tpu.dma_semaphore, #tpu.memory_space<semaphore_mem>>) src(%dma_wait3A_22 : memref<80x128xi32, #tpu.memory_space<hbm>>) dst(%arg6 : memref<80x128xi32, #tpu.memory_space<vmem>>)
      tpu.yield
    }) : () -> ()
    %barrier3A = arith.constant 0 : index
    tpu.barrier barrier_id(%barrier3A)
    %scan3A = arith.constant 0 : i32
    %scan3A_3 = arith.constant 0 : i32
    %scan3A_4 = arith.constant 80 : i32
    %scan3A_5 = arith.addi %scan3A_3, %scan3A_4 : i32
    %scan3A_6 = arith.constant 1 : i32
    scf.for %scan3A_9 = %scan3A_3 to %scan3A_5 step %scan3A_6  : i32 {
      "tpu.region"() ({
        %run_scoped3A = tpu.sem_alloc : memref<!tpu.dma_semaphore, #tpu.memory_space<semaphore_mem>>
        %dma_start3A = arith.constant 0 : i32
        %dma_start3A_10 = tpu.memref_slice %arg6[%scan3A_9, %dma_start3A] : memref<80x128xi32, #tpu.memory_space<vmem>> -> memref<1x128xi32, #tpu.memory_space<vmem>>
        %dma_start3A_11 = tpu.memref_squeeze %dma_start3A_10 : memref<1x128xi32, #tpu.memory_space<vmem>> -> memref<128xi32, #tpu.memory_space<vmem>>
        %dma_start3A_12 = arith.constant 0 : i32
        %dma_start3A_13 = arith.constant 0 : i32
        %dma_start3A_14 = tpu.memref_slice %arg8[%dma_start3A_12, %dma_start3A_13] : memref<10240x128xf32, #tpu.memory_space<vmem_shared>> -> memref<10240x128xf32, #tpu.memory_space<vmem_shared>>
        tpu.enqueue_indirect_dma source(%arg7 : memref<128x128xf32, #tpu.memory_space<vmem>>) target(%dma_start3A_14 : memref<10240x128xf32, #tpu.memory_space<vmem_shared>>) offsets(%dma_start3A_11 : memref<128xi32, #tpu.memory_space<vmem>>) semaphore(%run_scoped3A : memref<!tpu.dma_semaphore, #tpu.memory_space<semaphore_mem>>) {add = true}
        %dma_wait3A = arith.constant 0 : i32
        %dma_wait3A_15 = tpu.memref_slice %arg6[%scan3A_9, %dma_wait3A] : memref<80x128xi32, #tpu.memory_space<vmem>> -> memref<1x128xi32, #tpu.memory_space<vmem>>
        %dma_wait3A_16 = tpu.memref_squeeze %dma_wait3A_15 : memref<1x128xi32, #tpu.memory_space<vmem>> -> memref<128xi32, #tpu.memory_space<vmem>>
        %dma_wait3A_17 = arith.constant 0 : i32
        %dma_wait3A_18 = arith.constant 0 : i32
        %dma_wait3A_19 = tpu.memref_slice %arg8[%dma_wait3A_17, %dma_wait3A_18] : memref<10240x128xf32, #tpu.memory_space<vmem_shared>> -> memref<10240x128xf32, #tpu.memory_space<vmem_shared>>
        tpu.wait_indirect_dma semaphore(%run_scoped3A : memref<!tpu.dma_semaphore, #tpu.memory_space<semaphore_mem>>) src(%arg7 : memref<128x128xf32, #tpu.memory_space<vmem>>) dst(%dma_wait3A_19 : memref<10240x128xf32, #tpu.memory_space<vmem_shared>>)
        tpu.yield
      }) : () -> ()
    }
    %scan3A_7 = arith.constant 80 : i32
    %barrier3A_8 = arith.constant 0 : index
    tpu.barrier barrier_id(%barrier3A_8)
    "tpu.region"() ({
      %run_scoped3A = tpu.sem_alloc : memref<!tpu.dma_semaphore, #tpu.memory_space<semaphore_mem>>
      %dma_start3A = arith.constant 0 : i32
      %dma_start3A_9 = tpu.memref_slice %arg5[%arg0, %mul3A_2, %dma_start3A] : memref<2x10240x128xf32, #tpu.memory_space<hbm>> -> memref<1x640x128xf32, #tpu.memory_space<hbm>>
      %dma_start3A_10 = tpu.memref_squeeze %dma_start3A_9 : memref<1x640x128xf32, #tpu.memory_space<hbm>> -> memref<640x128xf32, #tpu.memory_space<hbm>>
      %dma_start3A_11 = arith.constant 0 : i32
      %dma_start3A_12 = tpu.memref_slice %arg8[%mul3A_2, %dma_start3A_11] : memref<10240x128xf32, #tpu.memory_space<vmem_shared>> -> memref<640x128xf32, #tpu.memory_space<vmem_shared>>
      tpu.enqueue_dma source(%dma_start3A_12 : memref<640x128xf32, #tpu.memory_space<vmem_shared>>) target(%dma_start3A_10 : memref<640x128xf32, #tpu.memory_space<hbm>>) target_semaphore(%run_scoped3A : memref<!tpu.dma_semaphore, #tpu.memory_space<semaphore_mem>>)
      %dma_wait3A = arith.constant 0 : i32
      %dma_wait3A_13 = tpu.memref_slice %arg5[%arg0, %mul3A_2, %dma_wait3A] : memref<2x10240x128xf32, #tpu.memory_space<hbm>> -> memref<1x640x128xf32, #tpu.memory_space<hbm>>
      %dma_wait3A_14 = tpu.memref_squeeze %dma_wait3A_13 : memref<1x640x128xf32, #tpu.memory_space<hbm>> -> memref<640x128xf32, #tpu.memory_space<hbm>>
      %dma_wait3A_15 = arith.constant 0 : i32
      %dma_wait3A_16 = tpu.memref_slice %arg8[%mul3A_2, %dma_wait3A_15] : memref<10240x128xf32, #tpu.memory_space<vmem_shared>> -> memref<640x128xf32, #tpu.memory_space<vmem_shared>>
      tpu.wait_dma2 semaphore(%run_scoped3A : memref<!tpu.dma_semaphore, #tpu.memory_space<semaphore_mem>>) src(%dma_wait3A_16 : memref<640x128xf32, #tpu.memory_space<vmem_shared>>) dst(%dma_wait3A_14 : memref<640x128xf32, #tpu.memory_space<hbm>>)
      tpu.yield
    }) : () -> ()
    return
  }
}

#map = affine_map<(d0, d1) -> (0, 0)>
#map1 = affine_map<(d0, d1) -> (0, 0, 0)>
module attributes {stable_mosaic.version = 14 : i64} {
  func.func @_sc_edges(%arg0: i32, %arg1: i32, %arg2: memref<2560x128xi32, #tpu.memory_space<hbm>>, %arg3: memref<2560x128xi32, #tpu.memory_space<hbm>>, %arg4: memref<10000x128xf32, #tpu.memory_space<hbm>>, %arg5: memref<640x128xf32, #tpu.memory_space<hbm>>, %arg6: memref<2x10240x128xf32, #tpu.memory_space<hbm>>, %arg7: memref<80x128xi32, #tpu.memory_space<vmem>>, %arg8: memref<8x128xi32, #tpu.memory_space<vmem>>, %arg9: memref<256x128xf32, #tpu.memory_space<vmem>>, %arg10: memref<10240x128xf32, #tpu.memory_space<vmem_shared>>, %arg11: memref<!tpu.dma_semaphore, #tpu.memory_space<semaphore_mem>>, %arg12: memref<!tpu.dma_semaphore, #tpu.memory_space<semaphore_mem>>) attributes {dimension_semantics = [#tpu.dimension_semantics<core_parallel>, #tpu.dimension_semantics<subcore_parallel>], iteration_bounds = array<i64: 2, 16>, scalar_prefetch = 0 : i64, scratch_operands = 6 : i64, tpu.core_type = #tpu.core_type<sc_vector_subcore>, window_params = [{transform_indices = #map}, {transform_indices = #map}, {transform_indices = #map}, {transform_indices = #map}, {transform_indices = #map1}]} {
    %mul3A = arith.constant 640 : i32
    %mul3A_0 = arith.muli %arg1, %mul3A : i32
    %eq3A = arith.constant 0 : i32
    %eq3A_1 = arith.cmpi eq, %arg0, %eq3A : i32
    %jit3A = arith.constant 80 : i32
    %jit3A_2 = arith.constant 80 : i32
    %select_n3A = arith.select %eq3A_1, %jit3A, %jit3A_2 : i32
    %eq3A_3 = arith.constant 0 : i32
    %eq3A_4 = arith.cmpi eq, %arg0, %eq3A_3 : i32
    %mul3A_5 = arith.constant 80 : i32
    %mul3A_6 = arith.muli %arg1, %mul3A_5 : i32
    %mul3A_7 = arith.constant 80 : i32
    %mul3A_8 = arith.muli %arg1, %mul3A_7 : i32
    %add3A = arith.constant 1280 : i32
    %add3A_9 = arith.addi %add3A, %mul3A_8 : i32
    %select_n3A_10 = arith.select %eq3A_4, %mul3A_6, %add3A_9 : i32
    %multiple_of3A = tpu.assume_multiple %select_n3A_10, 8 : i32
    "tpu.region"() ({
      %run_scoped3A = tpu.sem_alloc : memref<!tpu.dma_semaphore, #tpu.memory_space<semaphore_mem>>
      %dma_start3A_100 = arith.constant 0 : i32
      %dma_start3A_101 = tpu.memref_slice %arg10[%mul3A_0, %dma_start3A_100] : memref<10240x128xf32, #tpu.memory_space<vmem_shared>> -> memref<640x128xf32, #tpu.memory_space<vmem_shared>>
      tpu.enqueue_dma source(%arg5 : memref<640x128xf32, #tpu.memory_space<hbm>>) target(%dma_start3A_101 : memref<640x128xf32, #tpu.memory_space<vmem_shared>>) target_semaphore(%run_scoped3A : memref<!tpu.dma_semaphore, #tpu.memory_space<semaphore_mem>>)
      %dma_wait3A = arith.constant 0 : i32
      %dma_wait3A_102 = tpu.memref_slice %arg10[%mul3A_0, %dma_wait3A] : memref<10240x128xf32, #tpu.memory_space<vmem_shared>> -> memref<640x128xf32, #tpu.memory_space<vmem_shared>>
      tpu.wait_dma2 semaphore(%run_scoped3A : memref<!tpu.dma_semaphore, #tpu.memory_space<semaphore_mem>>) src(%arg5 : memref<640x128xf32, #tpu.memory_space<hbm>>) dst(%dma_wait3A_102 : memref<640x128xf32, #tpu.memory_space<vmem_shared>>)
      tpu.yield
    }) : () -> ()
    "tpu.region"() ({
      %run_scoped3A = tpu.sem_alloc : memref<!tpu.dma_semaphore, #tpu.memory_space<semaphore_mem>>
      %dma_start3A_100 = arith.constant 0 : i32
      %dma_start3A_101 = tpu.memref_slice %arg2[%multiple_of3A, %dma_start3A_100] : memref<2560x128xi32, #tpu.memory_space<hbm>> -> memref<80x128xi32, #tpu.memory_space<hbm>>
      %dma_start3A_102 = arith.constant 0 : i32
      %dma_start3A_103 = tpu.memref_slice %arg2[%multiple_of3A, %dma_start3A_102] : memref<2560x128xi32, #tpu.memory_space<hbm>> -> memref<80x128xi32, #tpu.memory_space<hbm>>
      tpu.enqueue_dma source(%dma_start3A_103 : memref<80x128xi32, #tpu.memory_space<hbm>>) target(%arg7 : memref<80x128xi32, #tpu.memory_space<vmem>>) target_semaphore(%run_scoped3A : memref<!tpu.dma_semaphore, #tpu.memory_space<semaphore_mem>>)
      %dma_wait3A = arith.constant 0 : i32
      %dma_wait3A_104 = tpu.memref_slice %arg2[%multiple_of3A, %dma_wait3A] : memref<2560x128xi32, #tpu.memory_space<hbm>> -> memref<80x128xi32, #tpu.memory_space<hbm>>
      %dma_wait3A_105 = arith.constant 0 : i32
      %dma_wait3A_106 = tpu.memref_slice %arg2[%multiple_of3A, %dma_wait3A_105] : memref<2560x128xi32, #tpu.memory_space<hbm>> -> memref<80x128xi32, #tpu.memory_space<hbm>>
      tpu.wait_dma2 semaphore(%run_scoped3A : memref<!tpu.dma_semaphore, #tpu.memory_space<semaphore_mem>>) src(%dma_wait3A_106 : memref<80x128xi32, #tpu.memory_space<hbm>>) dst(%arg7 : memref<80x128xi32, #tpu.memory_space<vmem>>)
      tpu.yield
    }) : () -> ()
    %barrier3A = arith.constant 0 : index
    tpu.barrier barrier_id(%barrier3A)
    %dma_start3A = arith.constant 0 : i32
    %dma_start3A_11 = arith.constant 0 : i32
    %dma_start3A_12 = arith.constant 0 : i32
    %dma_start3A_13 = tpu.memref_slice %arg9[%dma_start3A_11, %dma_start3A_12] : memref<256x128xf32, #tpu.memory_space<vmem>> -> memref<32x128xf32, #tpu.memory_space<vmem>>
    %dma_start3A_14 = arith.constant 0 : i32
    %dma_start3A_15 = tpu.memref_slice %arg7[%dma_start3A, %dma_start3A_14] : memref<80x128xi32, #tpu.memory_space<vmem>> -> memref<1x32xi32, #tpu.memory_space<vmem>>
    %dma_start3A_16 = tpu.memref_squeeze %dma_start3A_15 : memref<1x32xi32, #tpu.memory_space<vmem>> -> memref<32xi32, #tpu.memory_space<vmem>>
    %dma_start3A_17 = arith.constant 0 : i32
    %dma_start3A_18 = arith.constant 0 : i32
    %dma_start3A_19 = tpu.memref_slice %arg4[%dma_start3A_17, %dma_start3A_18] : memref<10000x128xf32, #tpu.memory_space<hbm>> -> memref<10000x128xf32, #tpu.memory_space<hbm>>
    tpu.enqueue_indirect_dma source(%dma_start3A_19 : memref<10000x128xf32, #tpu.memory_space<hbm>>) target(%dma_start3A_13 : memref<32x128xf32, #tpu.memory_space<vmem>>) offsets(%dma_start3A_16 : memref<32xi32, #tpu.memory_space<vmem>>) semaphore(%arg11 : memref<!tpu.dma_semaphore, #tpu.memory_space<semaphore_mem>>)
    %dma_start3A_20 = arith.constant 0 : i32
    %dma_start3A_21 = arith.constant 32 : i32
    %dma_start3A_22 = arith.constant 0 : i32
    %dma_start3A_23 = tpu.memref_slice %arg9[%dma_start3A_21, %dma_start3A_22] : memref<256x128xf32, #tpu.memory_space<vmem>> -> memref<32x128xf32, #tpu.memory_space<vmem>>
    %dma_start3A_24 = arith.constant 32 : i32
    %dma_start3A_25 = tpu.memref_slice %arg7[%dma_start3A_20, %dma_start3A_24] : memref<80x128xi32, #tpu.memory_space<vmem>> -> memref<1x32xi32, #tpu.memory_space<vmem>>
    %dma_start3A_26 = tpu.memref_squeeze %dma_start3A_25 : memref<1x32xi32, #tpu.memory_space<vmem>> -> memref<32xi32, #tpu.memory_space<vmem>>
    %dma_start3A_27 = arith.constant 0 : i32
    %dma_start3A_28 = arith.constant 0 : i32
    %dma_start3A_29 = tpu.memref_slice %arg4[%dma_start3A_27, %dma_start3A_28] : memref<10000x128xf32, #tpu.memory_space<hbm>> -> memref<10000x128xf32, #tpu.memory_space<hbm>>
    tpu.enqueue_indirect_dma source(%dma_start3A_29 : memref<10000x128xf32, #tpu.memory_space<hbm>>) target(%dma_start3A_23 : memref<32x128xf32, #tpu.memory_space<vmem>>) offsets(%dma_start3A_26 : memref<32xi32, #tpu.memory_space<vmem>>) semaphore(%arg11 : memref<!tpu.dma_semaphore, #tpu.memory_space<semaphore_mem>>)
    %dma_start3A_30 = arith.constant 0 : i32
    %dma_start3A_31 = arith.constant 64 : i32
    %dma_start3A_32 = arith.constant 0 : i32
    %dma_start3A_33 = tpu.memref_slice %arg9[%dma_start3A_31, %dma_start3A_32] : memref<256x128xf32, #tpu.memory_space<vmem>> -> memref<32x128xf32, #tpu.memory_space<vmem>>
    %dma_start3A_34 = arith.constant 64 : i32
    %dma_start3A_35 = tpu.memref_slice %arg7[%dma_start3A_30, %dma_start3A_34] : memref<80x128xi32, #tpu.memory_space<vmem>> -> memref<1x32xi32, #tpu.memory_space<vmem>>
    %dma_start3A_36 = tpu.memref_squeeze %dma_start3A_35 : memref<1x32xi32, #tpu.memory_space<vmem>> -> memref<32xi32, #tpu.memory_space<vmem>>
    %dma_start3A_37 = arith.constant 0 : i32
    %dma_start3A_38 = arith.constant 0 : i32
    %dma_start3A_39 = tpu.memref_slice %arg4[%dma_start3A_37, %dma_start3A_38] : memref<10000x128xf32, #tpu.memory_space<hbm>> -> memref<10000x128xf32, #tpu.memory_space<hbm>>
    tpu.enqueue_indirect_dma source(%dma_start3A_39 : memref<10000x128xf32, #tpu.memory_space<hbm>>) target(%dma_start3A_33 : memref<32x128xf32, #tpu.memory_space<vmem>>) offsets(%dma_start3A_36 : memref<32xi32, #tpu.memory_space<vmem>>) semaphore(%arg11 : memref<!tpu.dma_semaphore, #tpu.memory_space<semaphore_mem>>)
    %dma_start3A_40 = arith.constant 0 : i32
    %dma_start3A_41 = arith.constant 96 : i32
    %dma_start3A_42 = arith.constant 0 : i32
    %dma_start3A_43 = tpu.memref_slice %arg9[%dma_start3A_41, %dma_start3A_42] : memref<256x128xf32, #tpu.memory_space<vmem>> -> memref<32x128xf32, #tpu.memory_space<vmem>>
    %dma_start3A_44 = arith.constant 96 : i32
    %dma_start3A_45 = tpu.memref_slice %arg7[%dma_start3A_40, %dma_start3A_44] : memref<80x128xi32, #tpu.memory_space<vmem>> -> memref<1x32xi32, #tpu.memory_space<vmem>>
    %dma_start3A_46 = tpu.memref_squeeze %dma_start3A_45 : memref<1x32xi32, #tpu.memory_space<vmem>> -> memref<32xi32, #tpu.memory_space<vmem>>
    %dma_start3A_47 = arith.constant 0 : i32
    %dma_start3A_48 = arith.constant 0 : i32
    %dma_start3A_49 = tpu.memref_slice %arg4[%dma_start3A_47, %dma_start3A_48] : memref<10000x128xf32, #tpu.memory_space<hbm>> -> memref<10000x128xf32, #tpu.memory_space<hbm>>
    tpu.enqueue_indirect_dma source(%dma_start3A_49 : memref<10000x128xf32, #tpu.memory_space<hbm>>) target(%dma_start3A_43 : memref<32x128xf32, #tpu.memory_space<vmem>>) offsets(%dma_start3A_46 : memref<32xi32, #tpu.memory_space<vmem>>) semaphore(%arg11 : memref<!tpu.dma_semaphore, #tpu.memory_space<semaphore_mem>>)
    %dma_start3A_50 = arith.constant 1 : i32
    %dma_start3A_51 = arith.constant 128 : i32
    %dma_start3A_52 = arith.constant 0 : i32
    %dma_start3A_53 = tpu.memref_slice %arg9[%dma_start3A_51, %dma_start3A_52] : memref<256x128xf32, #tpu.memory_space<vmem>> -> memref<32x128xf32, #tpu.memory_space<vmem>>
    %dma_start3A_54 = arith.constant 0 : i32
    %dma_start3A_55 = tpu.memref_slice %arg7[%dma_start3A_50, %dma_start3A_54] : memref<80x128xi32, #tpu.memory_space<vmem>> -> memref<1x32xi32, #tpu.memory_space<vmem>>
    %dma_start3A_56 = tpu.memref_squeeze %dma_start3A_55 : memref<1x32xi32, #tpu.memory_space<vmem>> -> memref<32xi32, #tpu.memory_space<vmem>>
    %dma_start3A_57 = arith.constant 0 : i32
    %dma_start3A_58 = arith.constant 0 : i32
    %dma_start3A_59 = tpu.memref_slice %arg4[%dma_start3A_57, %dma_start3A_58] : memref<10000x128xf32, #tpu.memory_space<hbm>> -> memref<10000x128xf32, #tpu.memory_space<hbm>>
    tpu.enqueue_indirect_dma source(%dma_start3A_59 : memref<10000x128xf32, #tpu.memory_space<hbm>>) target(%dma_start3A_53 : memref<32x128xf32, #tpu.memory_space<vmem>>) offsets(%dma_start3A_56 : memref<32xi32, #tpu.memory_space<vmem>>) semaphore(%arg12 : memref<!tpu.dma_semaphore, #tpu.memory_space<semaphore_mem>>)
    %dma_start3A_60 = arith.constant 1 : i32
    %dma_start3A_61 = arith.constant 160 : i32
    %dma_start3A_62 = arith.constant 0 : i32
    %dma_start3A_63 = tpu.memref_slice %arg9[%dma_start3A_61, %dma_start3A_62] : memref<256x128xf32, #tpu.memory_space<vmem>> -> memref<32x128xf32, #tpu.memory_space<vmem>>
    %dma_start3A_64 = arith.constant 32 : i32
    %dma_start3A_65 = tpu.memref_slice %arg7[%dma_start3A_60, %dma_start3A_64] : memref<80x128xi32, #tpu.memory_space<vmem>> -> memref<1x32xi32, #tpu.memory_space<vmem>>
    %dma_start3A_66 = tpu.memref_squeeze %dma_start3A_65 : memref<1x32xi32, #tpu.memory_space<vmem>> -> memref<32xi32, #tpu.memory_space<vmem>>
    %dma_start3A_67 = arith.constant 0 : i32
    %dma_start3A_68 = arith.constant 0 : i32
    %dma_start3A_69 = tpu.memref_slice %arg4[%dma_start3A_67, %dma_start3A_68] : memref<10000x128xf32, #tpu.memory_space<hbm>> -> memref<10000x128xf32, #tpu.memory_space<hbm>>
    tpu.enqueue_indirect_dma source(%dma_start3A_69 : memref<10000x128xf32, #tpu.memory_space<hbm>>) target(%dma_start3A_63 : memref<32x128xf32, #tpu.memory_space<vmem>>) offsets(%dma_start3A_66 : memref<32xi32, #tpu.memory_space<vmem>>) semaphore(%arg12 : memref<!tpu.dma_semaphore, #tpu.memory_space<semaphore_mem>>)
    %dma_start3A_70 = arith.constant 1 : i32
    %dma_start3A_71 = arith.constant 192 : i32
    %dma_start3A_72 = arith.constant 0 : i32
    %dma_start3A_73 = tpu.memref_slice %arg9[%dma_start3A_71, %dma_start3A_72] : memref<256x128xf32, #tpu.memory_space<vmem>> -> memref<32x128xf32, #tpu.memory_space<vmem>>
    %dma_start3A_74 = arith.constant 64 : i32
    %dma_start3A_75 = tpu.memref_slice %arg7[%dma_start3A_70, %dma_start3A_74] : memref<80x128xi32, #tpu.memory_space<vmem>> -> memref<1x32xi32, #tpu.memory_space<vmem>>
    %dma_start3A_76 = tpu.memref_squeeze %dma_start3A_75 : memref<1x32xi32, #tpu.memory_space<vmem>> -> memref<32xi32, #tpu.memory_space<vmem>>
    %dma_start3A_77 = arith.constant 0 : i32
    %dma_start3A_78 = arith.constant 0 : i32
    %dma_start3A_79 = tpu.memref_slice %arg4[%dma_start3A_77, %dma_start3A_78] : memref<10000x128xf32, #tpu.memory_space<hbm>> -> memref<10000x128xf32, #tpu.memory_space<hbm>>
    tpu.enqueue_indirect_dma source(%dma_start3A_79 : memref<10000x128xf32, #tpu.memory_space<hbm>>) target(%dma_start3A_73 : memref<32x128xf32, #tpu.memory_space<vmem>>) offsets(%dma_start3A_76 : memref<32xi32, #tpu.memory_space<vmem>>) semaphore(%arg12 : memref<!tpu.dma_semaphore, #tpu.memory_space<semaphore_mem>>)
    %dma_start3A_80 = arith.constant 1 : i32
    %dma_start3A_81 = arith.constant 224 : i32
    %dma_start3A_82 = arith.constant 0 : i32
    %dma_start3A_83 = tpu.memref_slice %arg9[%dma_start3A_81, %dma_start3A_82] : memref<256x128xf32, #tpu.memory_space<vmem>> -> memref<32x128xf32, #tpu.memory_space<vmem>>
    %dma_start3A_84 = arith.constant 96 : i32
    %dma_start3A_85 = tpu.memref_slice %arg7[%dma_start3A_80, %dma_start3A_84] : memref<80x128xi32, #tpu.memory_space<vmem>> -> memref<1x32xi32, #tpu.memory_space<vmem>>
    %dma_start3A_86 = tpu.memref_squeeze %dma_start3A_85 : memref<1x32xi32, #tpu.memory_space<vmem>> -> memref<32xi32, #tpu.memory_space<vmem>>
    %dma_start3A_87 = arith.constant 0 : i32
    %dma_start3A_88 = arith.constant 0 : i32
    %dma_start3A_89 = tpu.memref_slice %arg4[%dma_start3A_87, %dma_start3A_88] : memref<10000x128xf32, #tpu.memory_space<hbm>> -> memref<10000x128xf32, #tpu.memory_space<hbm>>
    tpu.enqueue_indirect_dma source(%dma_start3A_89 : memref<10000x128xf32, #tpu.memory_space<hbm>>) target(%dma_start3A_83 : memref<32x128xf32, #tpu.memory_space<vmem>>) offsets(%dma_start3A_86 : memref<32xi32, #tpu.memory_space<vmem>>) semaphore(%arg12 : memref<!tpu.dma_semaphore, #tpu.memory_space<semaphore_mem>>)
    %while3A = arith.constant 0 : i32
    %while3A_90 = arith.constant 0 : i32
    %while3A_91 = arith.subi %select_n3A, %while3A_90 : i32
    %while3A_92 = arith.addi %while3A_90, %while3A_91 : i32
    %while3A_93 = arith.constant 1 : i32
    %while3A_94 = arith.divsi %while3A_91, %while3A_93 : i32
    %while3A_95 = arith.muli %while3A_94, %while3A_93 : i32
    %while3A_96 = arith.addi %while3A_90, %while3A_95 : i32
    %while3A_97 = arith.constant 1 : i32
    scf.for %while3A_100 = %while3A_90 to %while3A_96 step %while3A_97  : i32 {
      %jit3A_101 = arith.constant 8 : i32
      %eq3A_102 = arith.constant 0 : i32
      %eq3A_103 = arith.cmpi eq, %jit3A_101, %eq3A_102 : i32
      %jit3A_104 = arith.constant 1 : i32
      %select_n3A_105 = arith.select %eq3A_103, %jit3A_104, %jit3A_101 : i32
      %rem3A = arith.remsi %while3A_100, %select_n3A_105 : i32
      %ne3A = arith.constant 0 : i32
      %ne3A_106 = arith.cmpi ne, %rem3A, %ne3A : i32
      %lt3A = arith.constant 0 : i32
      %lt3A_107 = arith.cmpi slt, %rem3A, %lt3A : i32
      %lt3A_108 = arith.constant 0 : i32
      %lt3A_109 = arith.cmpi slt, %select_n3A_105, %lt3A_108 : i32
      %ne3A_110 = arith.xori %lt3A_107, %lt3A_109 : i1
      %and3A = arith.andi %ne3A_110, %ne3A_106 : i1
      %add3A_111 = arith.addi %rem3A, %select_n3A_105 : i32
      %select_n3A_112 = arith.select %and3A, %add3A_111, %rem3A : i32
      %eq3A_113 = arith.constant 0 : i32
      %eq3A_114 = arith.cmpi eq, %select_n3A_112, %eq3A_113 : i32
      %convert_element_type3A = arith.extui %eq3A_114 : i1 to i32
      %cond3A = arith.constant 0 : i32
      %cond3A_115 = arith.cmpi ne, %convert_element_type3A, %cond3A : i32
      scf.if %cond3A_115 {
        %jit3A_158 = arith.constant 8 : i32
        %div3A = arith.divsi %while3A_100, %jit3A_158 : i32
        %sign3A = arith.constant 0 : i32
        %sign3A_159 = arith.cmpi sgt, %while3A_100, %sign3A : i32
        %sign3A_160 = arith.extui %sign3A_159 : i1 to i32
        %sign3A_161 = arith.constant 0 : i32
        %sign3A_162 = arith.cmpi slt, %while3A_100, %sign3A_161 : i32
        %sign3A_163 = arith.extui %sign3A_162 : i1 to i32
        %sign3A_164 = arith.subi %sign3A_160, %sign3A_163 : i32
        %sign3A_165 = arith.constant 0 : i32
        %sign3A_166 = arith.cmpi sgt, %jit3A_158, %sign3A_165 : i32
        %sign3A_167 = arith.extui %sign3A_166 : i1 to i32
        %sign3A_168 = arith.constant 0 : i32
        %sign3A_169 = arith.cmpi slt, %jit3A_158, %sign3A_168 : i32
        %sign3A_170 = arith.extui %sign3A_169 : i1 to i32
        %sign3A_171 = arith.subi %sign3A_167, %sign3A_170 : i32
        %ne3A_172 = arith.cmpi ne, %sign3A_164, %sign3A_171 : i32
        %rem3A_173 = arith.remsi %while3A_100, %jit3A_158 : i32
        %ne3A_174 = arith.constant 0 : i32
        %ne3A_175 = arith.cmpi ne, %rem3A_173, %ne3A_174 : i32
        %and3A_176 = arith.andi %ne3A_172, %ne3A_175 : i1
        %sub3A = arith.constant 1 : i32
        %sub3A_177 = arith.subi %div3A, %sub3A : i32
        %select_n3A_178 = arith.select %and3A_176, %sub3A_177, %div3A : i32
        %mul3A_179 = arith.constant 8 : i32
        %mul3A_180 = arith.muli %select_n3A_178, %mul3A_179 : i32
        %add3A_181 = arith.addi %multiple_of3A, %mul3A_180 : i32
        "tpu.region"() ({
          %run_scoped3A = tpu.sem_alloc : memref<!tpu.dma_semaphore, #tpu.memory_space<semaphore_mem>>
          %dma_start3A_182 = arith.constant 0 : i32
          %dma_start3A_183 = tpu.memref_slice %arg3[%add3A_181, %dma_start3A_182] : memref<2560x128xi32, #tpu.memory_space<hbm>> -> memref<8x128xi32, #tpu.memory_space<hbm>>
          %dma_start3A_184 = arith.constant 0 : i32
          %dma_start3A_185 = tpu.memref_slice %arg3[%add3A_181, %dma_start3A_184] : memref<2560x128xi32, #tpu.memory_space<hbm>> -> memref<8x128xi32, #tpu.memory_space<hbm>>
          tpu.enqueue_dma source(%dma_start3A_185 : memref<8x128xi32, #tpu.memory_space<hbm>>) target(%arg8 : memref<8x128xi32, #tpu.memory_space<vmem>>) target_semaphore(%run_scoped3A : memref<!tpu.dma_semaphore, #tpu.memory_space<semaphore_mem>>)
          %dma_wait3A = arith.constant 0 : i32
          %dma_wait3A_186 = tpu.memref_slice %arg3[%add3A_181, %dma_wait3A] : memref<2560x128xi32, #tpu.memory_space<hbm>> -> memref<8x128xi32, #tpu.memory_space<hbm>>
          %dma_wait3A_187 = arith.constant 0 : i32
          %dma_wait3A_188 = tpu.memref_slice %arg3[%add3A_181, %dma_wait3A_187] : memref<2560x128xi32, #tpu.memory_space<hbm>> -> memref<8x128xi32, #tpu.memory_space<hbm>>
          tpu.wait_dma2 semaphore(%run_scoped3A : memref<!tpu.dma_semaphore, #tpu.memory_space<semaphore_mem>>) src(%dma_wait3A_188 : memref<8x128xi32, #tpu.memory_space<hbm>>) dst(%arg8 : memref<8x128xi32, #tpu.memory_space<vmem>>)
          tpu.yield
        }) : () -> ()
      } else {
      }
      %jit3A_116 = arith.constant 2 : i32
      %eq3A_117 = arith.constant 0 : i32
      %eq3A_118 = arith.cmpi eq, %jit3A_116, %eq3A_117 : i32
      %jit3A_119 = arith.constant 1 : i32
      %select_n3A_120 = arith.select %eq3A_118, %jit3A_119, %jit3A_116 : i32
      %rem3A_121 = arith.remsi %while3A_100, %select_n3A_120 : i32
      %ne3A_122 = arith.constant 0 : i32
      %ne3A_123 = arith.cmpi ne, %rem3A_121, %ne3A_122 : i32
      %lt3A_124 = arith.constant 0 : i32
      %lt3A_125 = arith.cmpi slt, %rem3A_121, %lt3A_124 : i32
      %lt3A_126 = arith.constant 0 : i32
      %lt3A_127 = arith.cmpi slt, %select_n3A_120, %lt3A_126 : i32
      %ne3A_128 = arith.xori %lt3A_125, %lt3A_127 : i1
      %and3A_129 = arith.andi %ne3A_128, %ne3A_123 : i1
      %add3A_130 = arith.addi %rem3A_121, %select_n3A_120 : i32
      %select_n3A_131 = arith.select %and3A_129, %add3A_130, %rem3A_121 : i32
      %eq3A_132 = arith.constant 0 : i32
      %eq3A_133 = arith.cmpi eq, %select_n3A_131, %eq3A_132 : i32
      %convert_element_type3A_134 = arith.extui %eq3A_133 : i1 to i32
      %cond3A_135 = arith.constant 0 : i32
      %cond3A_136 = arith.cmpi ne, %convert_element_type3A_134, %cond3A_135 : i32
      scf.if %cond3A_136 {
        %dma_wait3A = arith.constant 0 : i32
        %dma_wait3A_158 = arith.constant 0 : i32
        %dma_wait3A_159 = tpu.memref_slice %arg9[%dma_wait3A, %dma_wait3A_158] : memref<256x128xf32, #tpu.memory_space<vmem>> -> memref<32x128xf32, #tpu.memory_space<vmem>>
        %dma_wait3A_160 = arith.constant 0 : i32
        %dma_wait3A_161 = tpu.memref_slice %arg7[%while3A_100, %dma_wait3A_160] : memref<80x128xi32, #tpu.memory_space<vmem>> -> memref<1x32xi32, #tpu.memory_space<vmem>>
        %dma_wait3A_162 = tpu.memref_squeeze %dma_wait3A_161 : memref<1x32xi32, #tpu.memory_space<vmem>> -> memref<32xi32, #tpu.memory_space<vmem>>
        %dma_wait3A_163 = arith.constant 0 : i32
        %dma_wait3A_164 = arith.constant 0 : i32
        %dma_wait3A_165 = tpu.memref_slice %arg4[%dma_wait3A_163, %dma_wait3A_164] : memref<10000x128xf32, #tpu.memory_space<hbm>> -> memref<10000x128xf32, #tpu.memory_space<hbm>>
        tpu.wait_indirect_dma semaphore(%arg11 : memref<!tpu.dma_semaphore, #tpu.memory_space<semaphore_mem>>) src(%dma_wait3A_165 : memref<10000x128xf32, #tpu.memory_space<hbm>>) dst(%dma_wait3A_159 : memref<32x128xf32, #tpu.memory_space<vmem>>)
        %dma_wait3A_166 = arith.constant 32 : i32
        %dma_wait3A_167 = arith.constant 0 : i32
        %dma_wait3A_168 = tpu.memref_slice %arg9[%dma_wait3A_166, %dma_wait3A_167] : memref<256x128xf32, #tpu.memory_space<vmem>> -> memref<32x128xf32, #tpu.memory_space<vmem>>
        %dma_wait3A_169 = arith.constant 32 : i32
        %dma_wait3A_170 = tpu.memref_slice %arg7[%while3A_100, %dma_wait3A_169] : memref<80x128xi32, #tpu.memory_space<vmem>> -> memref<1x32xi32, #tpu.memory_space<vmem>>
        %dma_wait3A_171 = tpu.memref_squeeze %dma_wait3A_170 : memref<1x32xi32, #tpu.memory_space<vmem>> -> memref<32xi32, #tpu.memory_space<vmem>>
        %dma_wait3A_172 = arith.constant 0 : i32
        %dma_wait3A_173 = arith.constant 0 : i32
        %dma_wait3A_174 = tpu.memref_slice %arg4[%dma_wait3A_172, %dma_wait3A_173] : memref<10000x128xf32, #tpu.memory_space<hbm>> -> memref<10000x128xf32, #tpu.memory_space<hbm>>
        tpu.wait_indirect_dma semaphore(%arg11 : memref<!tpu.dma_semaphore, #tpu.memory_space<semaphore_mem>>) src(%dma_wait3A_174 : memref<10000x128xf32, #tpu.memory_space<hbm>>) dst(%dma_wait3A_168 : memref<32x128xf32, #tpu.memory_space<vmem>>)
        %dma_wait3A_175 = arith.constant 64 : i32
        %dma_wait3A_176 = arith.constant 0 : i32
        %dma_wait3A_177 = tpu.memref_slice %arg9[%dma_wait3A_175, %dma_wait3A_176] : memref<256x128xf32, #tpu.memory_space<vmem>> -> memref<32x128xf32, #tpu.memory_space<vmem>>
        %dma_wait3A_178 = arith.constant 64 : i32
        %dma_wait3A_179 = tpu.memref_slice %arg7[%while3A_100, %dma_wait3A_178] : memref<80x128xi32, #tpu.memory_space<vmem>> -> memref<1x32xi32, #tpu.memory_space<vmem>>
        %dma_wait3A_180 = tpu.memref_squeeze %dma_wait3A_179 : memref<1x32xi32, #tpu.memory_space<vmem>> -> memref<32xi32, #tpu.memory_space<vmem>>
        %dma_wait3A_181 = arith.constant 0 : i32
        %dma_wait3A_182 = arith.constant 0 : i32
        %dma_wait3A_183 = tpu.memref_slice %arg4[%dma_wait3A_181, %dma_wait3A_182] : memref<10000x128xf32, #tpu.memory_space<hbm>> -> memref<10000x128xf32, #tpu.memory_space<hbm>>
        tpu.wait_indirect_dma semaphore(%arg11 : memref<!tpu.dma_semaphore, #tpu.memory_space<semaphore_mem>>) src(%dma_wait3A_183 : memref<10000x128xf32, #tpu.memory_space<hbm>>) dst(%dma_wait3A_177 : memref<32x128xf32, #tpu.memory_space<vmem>>)
        %dma_wait3A_184 = arith.constant 96 : i32
        %dma_wait3A_185 = arith.constant 0 : i32
        %dma_wait3A_186 = tpu.memref_slice %arg9[%dma_wait3A_184, %dma_wait3A_185] : memref<256x128xf32, #tpu.memory_space<vmem>> -> memref<32x128xf32, #tpu.memory_space<vmem>>
        %dma_wait3A_187 = arith.constant 96 : i32
        %dma_wait3A_188 = tpu.memref_slice %arg7[%while3A_100, %dma_wait3A_187] : memref<80x128xi32, #tpu.memory_space<vmem>> -> memref<1x32xi32, #tpu.memory_space<vmem>>
        %dma_wait3A_189 = tpu.memref_squeeze %dma_wait3A_188 : memref<1x32xi32, #tpu.memory_space<vmem>> -> memref<32xi32, #tpu.memory_space<vmem>>
        %dma_wait3A_190 = arith.constant 0 : i32
        %dma_wait3A_191 = arith.constant 0 : i32
        %dma_wait3A_192 = tpu.memref_slice %arg4[%dma_wait3A_190, %dma_wait3A_191] : memref<10000x128xf32, #tpu.memory_space<hbm>> -> memref<10000x128xf32, #tpu.memory_space<hbm>>
        tpu.wait_indirect_dma semaphore(%arg11 : memref<!tpu.dma_semaphore, #tpu.memory_space<semaphore_mem>>) src(%dma_wait3A_192 : memref<10000x128xf32, #tpu.memory_space<hbm>>) dst(%dma_wait3A_186 : memref<32x128xf32, #tpu.memory_space<vmem>>)
        %jit3A_193 = arith.constant 8 : i32
        %eq3A_194 = arith.constant 0 : i32
        %eq3A_195 = arith.cmpi eq, %jit3A_193, %eq3A_194 : i32
        %jit3A_196 = arith.constant 1 : i32
        %select_n3A_197 = arith.select %eq3A_195, %jit3A_196, %jit3A_193 : i32
        %rem3A_198 = arith.remsi %while3A_100, %select_n3A_197 : i32
        %ne3A_199 = arith.constant 0 : i32
        %ne3A_200 = arith.cmpi ne, %rem3A_198, %ne3A_199 : i32
        %lt3A_201 = arith.constant 0 : i32
        %lt3A_202 = arith.cmpi slt, %rem3A_198, %lt3A_201 : i32
        %lt3A_203 = arith.constant 0 : i32
        %lt3A_204 = arith.cmpi slt, %select_n3A_197, %lt3A_203 : i32
        %ne3A_205 = arith.xori %lt3A_202, %lt3A_204 : i1
        %and3A_206 = arith.andi %ne3A_205, %ne3A_200 : i1
        %add3A_207 = arith.addi %rem3A_198, %select_n3A_197 : i32
        %select_n3A_208 = arith.select %and3A_206, %add3A_207, %rem3A_198 : i32
        "tpu.region"() ({
          %run_scoped3A = tpu.sem_alloc : memref<!tpu.dma_semaphore, #tpu.memory_space<semaphore_mem>>
          %dma_start3A_215 = arith.constant 0 : i32
          %dma_start3A_216 = arith.constant 0 : i32
          %dma_start3A_217 = tpu.memref_slice %arg9[%dma_start3A_215, %dma_start3A_216] : memref<256x128xf32, #tpu.memory_space<vmem>> -> memref<128x128xf32, #tpu.memory_space<vmem>>
          %dma_start3A_218 = arith.constant 0 : i32
          %dma_start3A_219 = tpu.memref_slice %arg8[%select_n3A_208, %dma_start3A_218] : memref<8x128xi32, #tpu.memory_space<vmem>> -> memref<1x128xi32, #tpu.memory_space<vmem>>
          %dma_start3A_220 = tpu.memref_squeeze %dma_start3A_219 : memref<1x128xi32, #tpu.memory_space<vmem>> -> memref<128xi32, #tpu.memory_space<vmem>>
          %dma_start3A_221 = arith.constant 0 : i32
          %dma_start3A_222 = arith.constant 0 : i32
          %dma_start3A_223 = tpu.memref_slice %arg10[%dma_start3A_221, %dma_start3A_222] : memref<10240x128xf32, #tpu.memory_space<vmem_shared>> -> memref<10240x128xf32, #tpu.memory_space<vmem_shared>>
          tpu.enqueue_indirect_dma source(%dma_start3A_217 : memref<128x128xf32, #tpu.memory_space<vmem>>) target(%dma_start3A_223 : memref<10240x128xf32, #tpu.memory_space<vmem_shared>>) offsets(%dma_start3A_220 : memref<128xi32, #tpu.memory_space<vmem>>) semaphore(%run_scoped3A : memref<!tpu.dma_semaphore, #tpu.memory_space<semaphore_mem>>) {add = true}
          %dma_wait3A_224 = arith.constant 0 : i32
          %dma_wait3A_225 = arith.constant 0 : i32
          %dma_wait3A_226 = tpu.memref_slice %arg9[%dma_wait3A_224, %dma_wait3A_225] : memref<256x128xf32, #tpu.memory_space<vmem>> -> memref<128x128xf32, #tpu.memory_space<vmem>>
          %dma_wait3A_227 = arith.constant 0 : i32
          %dma_wait3A_228 = tpu.memref_slice %arg8[%select_n3A_208, %dma_wait3A_227] : memref<8x128xi32, #tpu.memory_space<vmem>> -> memref<1x128xi32, #tpu.memory_space<vmem>>
          %dma_wait3A_229 = tpu.memref_squeeze %dma_wait3A_228 : memref<1x128xi32, #tpu.memory_space<vmem>> -> memref<128xi32, #tpu.memory_space<vmem>>
          %dma_wait3A_230 = arith.constant 0 : i32
          %dma_wait3A_231 = arith.constant 0 : i32
          %dma_wait3A_232 = tpu.memref_slice %arg10[%dma_wait3A_230, %dma_wait3A_231] : memref<10240x128xf32, #tpu.memory_space<vmem_shared>> -> memref<10240x128xf32, #tpu.memory_space<vmem_shared>>
          tpu.wait_indirect_dma semaphore(%run_scoped3A : memref<!tpu.dma_semaphore, #tpu.memory_space<semaphore_mem>>) src(%dma_wait3A_226 : memref<128x128xf32, #tpu.memory_space<vmem>>) dst(%dma_wait3A_232 : memref<10240x128xf32, #tpu.memory_space<vmem_shared>>)
          tpu.yield
        }) : () -> ()
        %add3A_209 = arith.constant 2 : i32
        %add3A_210 = arith.addi %while3A_100, %add3A_209 : i32
        %lt3A_211 = arith.cmpi slt, %add3A_210, %select_n3A : i32
        %convert_element_type3A_212 = arith.extui %lt3A_211 : i1 to i32
        %cond3A_213 = arith.constant 0 : i32
        %cond3A_214 = arith.cmpi ne, %convert_element_type3A_212, %cond3A_213 : i32
        scf.if %cond3A_214 {
          %add3A_215 = arith.constant 2 : i32
          %add3A_216 = arith.addi %while3A_100, %add3A_215 : i32
          %dma_start3A_217 = arith.constant 0 : i32
          %dma_start3A_218 = arith.constant 0 : i32
          %dma_start3A_219 = tpu.memref_slice %arg9[%dma_start3A_217, %dma_start3A_218] : memref<256x128xf32, #tpu.memory_space<vmem>> -> memref<32x128xf32, #tpu.memory_space<vmem>>
          %dma_start3A_220 = arith.constant 0 : i32
          %dma_start3A_221 = tpu.memref_slice %arg7[%add3A_216, %dma_start3A_220] : memref<80x128xi32, #tpu.memory_space<vmem>> -> memref<1x32xi32, #tpu.memory_space<vmem>>
          %dma_start3A_222 = tpu.memref_squeeze %dma_start3A_221 : memref<1x32xi32, #tpu.memory_space<vmem>> -> memref<32xi32, #tpu.memory_space<vmem>>
          %dma_start3A_223 = arith.constant 0 : i32
          %dma_start3A_224 = arith.constant 0 : i32
          %dma_start3A_225 = tpu.memref_slice %arg4[%dma_start3A_223, %dma_start3A_224] : memref<10000x128xf32, #tpu.memory_space<hbm>> -> memref<10000x128xf32, #tpu.memory_space<hbm>>
          tpu.enqueue_indirect_dma source(%dma_start3A_225 : memref<10000x128xf32, #tpu.memory_space<hbm>>) target(%dma_start3A_219 : memref<32x128xf32, #tpu.memory_space<vmem>>) offsets(%dma_start3A_222 : memref<32xi32, #tpu.memory_space<vmem>>) semaphore(%arg11 : memref<!tpu.dma_semaphore, #tpu.memory_space<semaphore_mem>>)
          %dma_start3A_226 = arith.constant 32 : i32
          %dma_start3A_227 = arith.constant 0 : i32
          %dma_start3A_228 = tpu.memref_slice %arg9[%dma_start3A_226, %dma_start3A_227] : memref<256x128xf32, #tpu.memory_space<vmem>> -> memref<32x128xf32, #tpu.memory_space<vmem>>
          %dma_start3A_229 = arith.constant 32 : i32
          %dma_start3A_230 = tpu.memref_slice %arg7[%add3A_216, %dma_start3A_229] : memref<80x128xi32, #tpu.memory_space<vmem>> -> memref<1x32xi32, #tpu.memory_space<vmem>>
          %dma_start3A_231 = tpu.memref_squeeze %dma_start3A_230 : memref<1x32xi32, #tpu.memory_space<vmem>> -> memref<32xi32, #tpu.memory_space<vmem>>
          %dma_start3A_232 = arith.constant 0 : i32
          %dma_start3A_233 = arith.constant 0 : i32
          %dma_start3A_234 = tpu.memref_slice %arg4[%dma_start3A_232, %dma_start3A_233] : memref<10000x128xf32, #tpu.memory_space<hbm>> -> memref<10000x128xf32, #tpu.memory_space<hbm>>
          tpu.enqueue_indirect_dma source(%dma_start3A_234 : memref<10000x128xf32, #tpu.memory_space<hbm>>) target(%dma_start3A_228 : memref<32x128xf32, #tpu.memory_space<vmem>>) offsets(%dma_start3A_231 : memref<32xi32, #tpu.memory_space<vmem>>) semaphore(%arg11 : memref<!tpu.dma_semaphore, #tpu.memory_space<semaphore_mem>>)
          %dma_start3A_235 = arith.constant 64 : i32
          %dma_start3A_236 = arith.constant 0 : i32
          %dma_start3A_237 = tpu.memref_slice %arg9[%dma_start3A_235, %dma_start3A_236] : memref<256x128xf32, #tpu.memory_space<vmem>> -> memref<32x128xf32, #tpu.memory_space<vmem>>
          %dma_start3A_238 = arith.constant 64 : i32
          %dma_start3A_239 = tpu.memref_slice %arg7[%add3A_216, %dma_start3A_238] : memref<80x128xi32, #tpu.memory_space<vmem>> -> memref<1x32xi32, #tpu.memory_space<vmem>>
          %dma_start3A_240 = tpu.memref_squeeze %dma_start3A_239 : memref<1x32xi32, #tpu.memory_space<vmem>> -> memref<32xi32, #tpu.memory_space<vmem>>
          %dma_start3A_241 = arith.constant 0 : i32
          %dma_start3A_242 = arith.constant 0 : i32
          %dma_start3A_243 = tpu.memref_slice %arg4[%dma_start3A_241, %dma_start3A_242] : memref<10000x128xf32, #tpu.memory_space<hbm>> -> memref<10000x128xf32, #tpu.memory_space<hbm>>
          tpu.enqueue_indirect_dma source(%dma_start3A_243 : memref<10000x128xf32, #tpu.memory_space<hbm>>) target(%dma_start3A_237 : memref<32x128xf32, #tpu.memory_space<vmem>>) offsets(%dma_start3A_240 : memref<32xi32, #tpu.memory_space<vmem>>) semaphore(%arg11 : memref<!tpu.dma_semaphore, #tpu.memory_space<semaphore_mem>>)
          %dma_start3A_244 = arith.constant 96 : i32
          %dma_start3A_245 = arith.constant 0 : i32
          %dma_start3A_246 = tpu.memref_slice %arg9[%dma_start3A_244, %dma_start3A_245] : memref<256x128xf32, #tpu.memory_space<vmem>> -> memref<32x128xf32, #tpu.memory_space<vmem>>
          %dma_start3A_247 = arith.constant 96 : i32
          %dma_start3A_248 = tpu.memref_slice %arg7[%add3A_216, %dma_start3A_247] : memref<80x128xi32, #tpu.memory_space<vmem>> -> memref<1x32xi32, #tpu.memory_space<vmem>>
          %dma_start3A_249 = tpu.memref_squeeze %dma_start3A_248 : memref<1x32xi32, #tpu.memory_space<vmem>> -> memref<32xi32, #tpu.memory_space<vmem>>
          %dma_start3A_250 = arith.constant 0 : i32
          %dma_start3A_251 = arith.constant 0 : i32
          %dma_start3A_252 = tpu.memref_slice %arg4[%dma_start3A_250, %dma_start3A_251] : memref<10000x128xf32, #tpu.memory_space<hbm>> -> memref<10000x128xf32, #tpu.memory_space<hbm>>
          tpu.enqueue_indirect_dma source(%dma_start3A_252 : memref<10000x128xf32, #tpu.memory_space<hbm>>) target(%dma_start3A_246 : memref<32x128xf32, #tpu.memory_space<vmem>>) offsets(%dma_start3A_249 : memref<32xi32, #tpu.memory_space<vmem>>) semaphore(%arg11 : memref<!tpu.dma_semaphore, #tpu.memory_space<semaphore_mem>>)
        } else {
        }
      } else {
      }
      %jit3A_137 = arith.constant 2 : i32
      %eq3A_138 = arith.constant 0 : i32
      %eq3A_139 = arith.cmpi eq, %jit3A_137, %eq3A_138 : i32
      %jit3A_140 = arith.constant 1 : i32
      %select_n3A_141 = arith.select %eq3A_139, %jit3A_140, %jit3A_137 : i32
      %rem3A_142 = arith.remsi %while3A_100, %select_n3A_141 : i32
      %ne3A_143 = arith.constant 0 : i32
      %ne3A_144 = arith.cmpi ne, %rem3A_142, %ne3A_143 : i32
      %lt3A_145 = arith.constant 0 : i32
      %lt3A_146 = arith.cmpi slt, %rem3A_142, %lt3A_145 : i32
      %lt3A_147 = arith.constant 0 : i32
      %lt3A_148 = arith.cmpi slt, %select_n3A_141, %lt3A_147 : i32
      %ne3A_149 = arith.xori %lt3A_146, %lt3A_148 : i1
      %and3A_150 = arith.andi %ne3A_149, %ne3A_144 : i1
      %add3A_151 = arith.addi %rem3A_142, %select_n3A_141 : i32
      %select_n3A_152 = arith.select %and3A_150, %add3A_151, %rem3A_142 : i32
      %eq3A_153 = arith.constant 1 : i32
      %eq3A_154 = arith.cmpi eq, %select_n3A_152, %eq3A_153 : i32
      %convert_element_type3A_155 = arith.extui %eq3A_154 : i1 to i32
      %cond3A_156 = arith.constant 0 : i32
      %cond3A_157 = arith.cmpi ne, %convert_element_type3A_155, %cond3A_156 : i32
      scf.if %cond3A_157 {
        %dma_wait3A = arith.constant 128 : i32
        %dma_wait3A_158 = arith.constant 0 : i32
        %dma_wait3A_159 = tpu.memref_slice %arg9[%dma_wait3A, %dma_wait3A_158] : memref<256x128xf32, #tpu.memory_space<vmem>> -> memref<32x128xf32, #tpu.memory_space<vmem>>
        %dma_wait3A_160 = arith.constant 0 : i32
        %dma_wait3A_161 = tpu.memref_slice %arg7[%while3A_100, %dma_wait3A_160] : memref<80x128xi32, #tpu.memory_space<vmem>> -> memref<1x32xi32, #tpu.memory_space<vmem>>
        %dma_wait3A_162 = tpu.memref_squeeze %dma_wait3A_161 : memref<1x32xi32, #tpu.memory_space<vmem>> -> memref<32xi32, #tpu.memory_space<vmem>>
        %dma_wait3A_163 = arith.constant 0 : i32
        %dma_wait3A_164 = arith.constant 0 : i32
        %dma_wait3A_165 = tpu.memref_slice %arg4[%dma_wait3A_163, %dma_wait3A_164] : memref<10000x128xf32, #tpu.memory_space<hbm>> -> memref<10000x128xf32, #tpu.memory_space<hbm>>
        tpu.wait_indirect_dma semaphore(%arg12 : memref<!tpu.dma_semaphore, #tpu.memory_space<semaphore_mem>>) src(%dma_wait3A_165 : memref<10000x128xf32, #tpu.memory_space<hbm>>) dst(%dma_wait3A_159 : memref<32x128xf32, #tpu.memory_space<vmem>>)
        %dma_wait3A_166 = arith.constant 160 : i32
        %dma_wait3A_167 = arith.constant 0 : i32
        %dma_wait3A_168 = tpu.memref_slice %arg9[%dma_wait3A_166, %dma_wait3A_167] : memref<256x128xf32, #tpu.memory_space<vmem>> -> memref<32x128xf32, #tpu.memory_space<vmem>>
        %dma_wait3A_169 = arith.constant 32 : i32
        %dma_wait3A_170 = tpu.memref_slice %arg7[%while3A_100, %dma_wait3A_169] : memref<80x128xi32, #tpu.memory_space<vmem>> -> memref<1x32xi32, #tpu.memory_space<vmem>>
        %dma_wait3A_171 = tpu.memref_squeeze %dma_wait3A_170 : memref<1x32xi32, #tpu.memory_space<vmem>> -> memref<32xi32, #tpu.memory_space<vmem>>
        %dma_wait3A_172 = arith.constant 0 : i32
        %dma_wait3A_173 = arith.constant 0 : i32
        %dma_wait3A_174 = tpu.memref_slice %arg4[%dma_wait3A_172, %dma_wait3A_173] : memref<10000x128xf32, #tpu.memory_space<hbm>> -> memref<10000x128xf32, #tpu.memory_space<hbm>>
        tpu.wait_indirect_dma semaphore(%arg12 : memref<!tpu.dma_semaphore, #tpu.memory_space<semaphore_mem>>) src(%dma_wait3A_174 : memref<10000x128xf32, #tpu.memory_space<hbm>>) dst(%dma_wait3A_168 : memref<32x128xf32, #tpu.memory_space<vmem>>)
        %dma_wait3A_175 = arith.constant 192 : i32
        %dma_wait3A_176 = arith.constant 0 : i32
        %dma_wait3A_177 = tpu.memref_slice %arg9[%dma_wait3A_175, %dma_wait3A_176] : memref<256x128xf32, #tpu.memory_space<vmem>> -> memref<32x128xf32, #tpu.memory_space<vmem>>
        %dma_wait3A_178 = arith.constant 64 : i32
        %dma_wait3A_179 = tpu.memref_slice %arg7[%while3A_100, %dma_wait3A_178] : memref<80x128xi32, #tpu.memory_space<vmem>> -> memref<1x32xi32, #tpu.memory_space<vmem>>
        %dma_wait3A_180 = tpu.memref_squeeze %dma_wait3A_179 : memref<1x32xi32, #tpu.memory_space<vmem>> -> memref<32xi32, #tpu.memory_space<vmem>>
        %dma_wait3A_181 = arith.constant 0 : i32
        %dma_wait3A_182 = arith.constant 0 : i32
        %dma_wait3A_183 = tpu.memref_slice %arg4[%dma_wait3A_181, %dma_wait3A_182] : memref<10000x128xf32, #tpu.memory_space<hbm>> -> memref<10000x128xf32, #tpu.memory_space<hbm>>
        tpu.wait_indirect_dma semaphore(%arg12 : memref<!tpu.dma_semaphore, #tpu.memory_space<semaphore_mem>>) src(%dma_wait3A_183 : memref<10000x128xf32, #tpu.memory_space<hbm>>) dst(%dma_wait3A_177 : memref<32x128xf32, #tpu.memory_space<vmem>>)
        %dma_wait3A_184 = arith.constant 224 : i32
        %dma_wait3A_185 = arith.constant 0 : i32
        %dma_wait3A_186 = tpu.memref_slice %arg9[%dma_wait3A_184, %dma_wait3A_185] : memref<256x128xf32, #tpu.memory_space<vmem>> -> memref<32x128xf32, #tpu.memory_space<vmem>>
        %dma_wait3A_187 = arith.constant 96 : i32
        %dma_wait3A_188 = tpu.memref_slice %arg7[%while3A_100, %dma_wait3A_187] : memref<80x128xi32, #tpu.memory_space<vmem>> -> memref<1x32xi32, #tpu.memory_space<vmem>>
        %dma_wait3A_189 = tpu.memref_squeeze %dma_wait3A_188 : memref<1x32xi32, #tpu.memory_space<vmem>> -> memref<32xi32, #tpu.memory_space<vmem>>
        %dma_wait3A_190 = arith.constant 0 : i32
        %dma_wait3A_191 = arith.constant 0 : i32
        %dma_wait3A_192 = tpu.memref_slice %arg4[%dma_wait3A_190, %dma_wait3A_191] : memref<10000x128xf32, #tpu.memory_space<hbm>> -> memref<10000x128xf32, #tpu.memory_space<hbm>>
        tpu.wait_indirect_dma semaphore(%arg12 : memref<!tpu.dma_semaphore, #tpu.memory_space<semaphore_mem>>) src(%dma_wait3A_192 : memref<10000x128xf32, #tpu.memory_space<hbm>>) dst(%dma_wait3A_186 : memref<32x128xf32, #tpu.memory_space<vmem>>)
        %jit3A_193 = arith.constant 8 : i32
        %eq3A_194 = arith.constant 0 : i32
        %eq3A_195 = arith.cmpi eq, %jit3A_193, %eq3A_194 : i32
        %jit3A_196 = arith.constant 1 : i32
        %select_n3A_197 = arith.select %eq3A_195, %jit3A_196, %jit3A_193 : i32
        %rem3A_198 = arith.remsi %while3A_100, %select_n3A_197 : i32
        %ne3A_199 = arith.constant 0 : i32
        %ne3A_200 = arith.cmpi ne, %rem3A_198, %ne3A_199 : i32
        %lt3A_201 = arith.constant 0 : i32
        %lt3A_202 = arith.cmpi slt, %rem3A_198, %lt3A_201 : i32
        %lt3A_203 = arith.constant 0 : i32
        %lt3A_204 = arith.cmpi slt, %select_n3A_197, %lt3A_203 : i32
        %ne3A_205 = arith.xori %lt3A_202, %lt3A_204 : i1
        %and3A_206 = arith.andi %ne3A_205, %ne3A_200 : i1
        %add3A_207 = arith.addi %rem3A_198, %select_n3A_197 : i32
        %select_n3A_208 = arith.select %and3A_206, %add3A_207, %rem3A_198 : i32
        "tpu.region"() ({
          %run_scoped3A = tpu.sem_alloc : memref<!tpu.dma_semaphore, #tpu.memory_space<semaphore_mem>>
          %dma_start3A_215 = arith.constant 128 : i32
          %dma_start3A_216 = arith.constant 0 : i32
          %dma_start3A_217 = tpu.memref_slice %arg9[%dma_start3A_215, %dma_start3A_216] : memref<256x128xf32, #tpu.memory_space<vmem>> -> memref<128x128xf32, #tpu.memory_space<vmem>>
          %dma_start3A_218 = arith.constant 0 : i32
          %dma_start3A_219 = tpu.memref_slice %arg8[%select_n3A_208, %dma_start3A_218] : memref<8x128xi32, #tpu.memory_space<vmem>> -> memref<1x128xi32, #tpu.memory_space<vmem>>
          %dma_start3A_220 = tpu.memref_squeeze %dma_start3A_219 : memref<1x128xi32, #tpu.memory_space<vmem>> -> memref<128xi32, #tpu.memory_space<vmem>>
          %dma_start3A_221 = arith.constant 0 : i32
          %dma_start3A_222 = arith.constant 0 : i32
          %dma_start3A_223 = tpu.memref_slice %arg10[%dma_start3A_221, %dma_start3A_222] : memref<10240x128xf32, #tpu.memory_space<vmem_shared>> -> memref<10240x128xf32, #tpu.memory_space<vmem_shared>>
          tpu.enqueue_indirect_dma source(%dma_start3A_217 : memref<128x128xf32, #tpu.memory_space<vmem>>) target(%dma_start3A_223 : memref<10240x128xf32, #tpu.memory_space<vmem_shared>>) offsets(%dma_start3A_220 : memref<128xi32, #tpu.memory_space<vmem>>) semaphore(%run_scoped3A : memref<!tpu.dma_semaphore, #tpu.memory_space<semaphore_mem>>) {add = true}
          %dma_wait3A_224 = arith.constant 128 : i32
          %dma_wait3A_225 = arith.constant 0 : i32
          %dma_wait3A_226 = tpu.memref_slice %arg9[%dma_wait3A_224, %dma_wait3A_225] : memref<256x128xf32, #tpu.memory_space<vmem>> -> memref<128x128xf32, #tpu.memory_space<vmem>>
          %dma_wait3A_227 = arith.constant 0 : i32
          %dma_wait3A_228 = tpu.memref_slice %arg8[%select_n3A_208, %dma_wait3A_227] : memref<8x128xi32, #tpu.memory_space<vmem>> -> memref<1x128xi32, #tpu.memory_space<vmem>>
          %dma_wait3A_229 = tpu.memref_squeeze %dma_wait3A_228 : memref<1x128xi32, #tpu.memory_space<vmem>> -> memref<128xi32, #tpu.memory_space<vmem>>
          %dma_wait3A_230 = arith.constant 0 : i32
          %dma_wait3A_231 = arith.constant 0 : i32
          %dma_wait3A_232 = tpu.memref_slice %arg10[%dma_wait3A_230, %dma_wait3A_231] : memref<10240x128xf32, #tpu.memory_space<vmem_shared>> -> memref<10240x128xf32, #tpu.memory_space<vmem_shared>>
          tpu.wait_indirect_dma semaphore(%run_scoped3A : memref<!tpu.dma_semaphore, #tpu.memory_space<semaphore_mem>>) src(%dma_wait3A_226 : memref<128x128xf32, #tpu.memory_space<vmem>>) dst(%dma_wait3A_232 : memref<10240x128xf32, #tpu.memory_space<vmem_shared>>)
          tpu.yield
        }) : () -> ()
        %add3A_209 = arith.constant 2 : i32
        %add3A_210 = arith.addi %while3A_100, %add3A_209 : i32
        %lt3A_211 = arith.cmpi slt, %add3A_210, %select_n3A : i32
        %convert_element_type3A_212 = arith.extui %lt3A_211 : i1 to i32
        %cond3A_213 = arith.constant 0 : i32
        %cond3A_214 = arith.cmpi ne, %convert_element_type3A_212, %cond3A_213 : i32
        scf.if %cond3A_214 {
          %add3A_215 = arith.constant 2 : i32
          %add3A_216 = arith.addi %while3A_100, %add3A_215 : i32
          %dma_start3A_217 = arith.constant 128 : i32
          %dma_start3A_218 = arith.constant 0 : i32
          %dma_start3A_219 = tpu.memref_slice %arg9[%dma_start3A_217, %dma_start3A_218] : memref<256x128xf32, #tpu.memory_space<vmem>> -> memref<32x128xf32, #tpu.memory_space<vmem>>
          %dma_start3A_220 = arith.constant 0 : i32
          %dma_start3A_221 = tpu.memref_slice %arg7[%add3A_216, %dma_start3A_220] : memref<80x128xi32, #tpu.memory_space<vmem>> -> memref<1x32xi32, #tpu.memory_space<vmem>>
          %dma_start3A_222 = tpu.memref_squeeze %dma_start3A_221 : memref<1x32xi32, #tpu.memory_space<vmem>> -> memref<32xi32, #tpu.memory_space<vmem>>
          %dma_start3A_223 = arith.constant 0 : i32
          %dma_start3A_224 = arith.constant 0 : i32
          %dma_start3A_225 = tpu.memref_slice %arg4[%dma_start3A_223, %dma_start3A_224] : memref<10000x128xf32, #tpu.memory_space<hbm>> -> memref<10000x128xf32, #tpu.memory_space<hbm>>
          tpu.enqueue_indirect_dma source(%dma_start3A_225 : memref<10000x128xf32, #tpu.memory_space<hbm>>) target(%dma_start3A_219 : memref<32x128xf32, #tpu.memory_space<vmem>>) offsets(%dma_start3A_222 : memref<32xi32, #tpu.memory_space<vmem>>) semaphore(%arg12 : memref<!tpu.dma_semaphore, #tpu.memory_space<semaphore_mem>>)
          %dma_start3A_226 = arith.constant 160 : i32
          %dma_start3A_227 = arith.constant 0 : i32
          %dma_start3A_228 = tpu.memref_slice %arg9[%dma_start3A_226, %dma_start3A_227] : memref<256x128xf32, #tpu.memory_space<vmem>> -> memref<32x128xf32, #tpu.memory_space<vmem>>
          %dma_start3A_229 = arith.constant 32 : i32
          %dma_start3A_230 = tpu.memref_slice %arg7[%add3A_216, %dma_start3A_229] : memref<80x128xi32, #tpu.memory_space<vmem>> -> memref<1x32xi32, #tpu.memory_space<vmem>>
          %dma_start3A_231 = tpu.memref_squeeze %dma_start3A_230 : memref<1x32xi32, #tpu.memory_space<vmem>> -> memref<32xi32, #tpu.memory_space<vmem>>
          %dma_start3A_232 = arith.constant 0 : i32
          %dma_start3A_233 = arith.constant 0 : i32
          %dma_start3A_234 = tpu.memref_slice %arg4[%dma_start3A_232, %dma_start3A_233] : memref<10000x128xf32, #tpu.memory_space<hbm>> -> memref<10000x128xf32, #tpu.memory_space<hbm>>
          tpu.enqueue_indirect_dma source(%dma_start3A_234 : memref<10000x128xf32, #tpu.memory_space<hbm>>) target(%dma_start3A_228 : memref<32x128xf32, #tpu.memory_space<vmem>>) offsets(%dma_start3A_231 : memref<32xi32, #tpu.memory_space<vmem>>) semaphore(%arg12 : memref<!tpu.dma_semaphore, #tpu.memory_space<semaphore_mem>>)
          %dma_start3A_235 = arith.constant 192 : i32
          %dma_start3A_236 = arith.constant 0 : i32
          %dma_start3A_237 = tpu.memref_slice %arg9[%dma_start3A_235, %dma_start3A_236] : memref<256x128xf32, #tpu.memory_space<vmem>> -> memref<32x128xf32, #tpu.memory_space<vmem>>
          %dma_start3A_238 = arith.constant 64 : i32
          %dma_start3A_239 = tpu.memref_slice %arg7[%add3A_216, %dma_start3A_238] : memref<80x128xi32, #tpu.memory_space<vmem>> -> memref<1x32xi32, #tpu.memory_space<vmem>>
          %dma_start3A_240 = tpu.memref_squeeze %dma_start3A_239 : memref<1x32xi32, #tpu.memory_space<vmem>> -> memref<32xi32, #tpu.memory_space<vmem>>
          %dma_start3A_241 = arith.constant 0 : i32
          %dma_start3A_242 = arith.constant 0 : i32
          %dma_start3A_243 = tpu.memref_slice %arg4[%dma_start3A_241, %dma_start3A_242] : memref<10000x128xf32, #tpu.memory_space<hbm>> -> memref<10000x128xf32, #tpu.memory_space<hbm>>
          tpu.enqueue_indirect_dma source(%dma_start3A_243 : memref<10000x128xf32, #tpu.memory_space<hbm>>) target(%dma_start3A_237 : memref<32x128xf32, #tpu.memory_space<vmem>>) offsets(%dma_start3A_240 : memref<32xi32, #tpu.memory_space<vmem>>) semaphore(%arg12 : memref<!tpu.dma_semaphore, #tpu.memory_space<semaphore_mem>>)
          %dma_start3A_244 = arith.constant 224 : i32
          %dma_start3A_245 = arith.constant 0 : i32
          %dma_start3A_246 = tpu.memref_slice %arg9[%dma_start3A_244, %dma_start3A_245] : memref<256x128xf32, #tpu.memory_space<vmem>> -> memref<32x128xf32, #tpu.memory_space<vmem>>
          %dma_start3A_247 = arith.constant 96 : i32
          %dma_start3A_248 = tpu.memref_slice %arg7[%add3A_216, %dma_start3A_247] : memref<80x128xi32, #tpu.memory_space<vmem>> -> memref<1x32xi32, #tpu.memory_space<vmem>>
          %dma_start3A_249 = tpu.memref_squeeze %dma_start3A_248 : memref<1x32xi32, #tpu.memory_space<vmem>> -> memref<32xi32, #tpu.memory_space<vmem>>
          %dma_start3A_250 = arith.constant 0 : i32
          %dma_start3A_251 = arith.constant 0 : i32
          %dma_start3A_252 = tpu.memref_slice %arg4[%dma_start3A_250, %dma_start3A_251] : memref<10000x128xf32, #tpu.memory_space<hbm>> -> memref<10000x128xf32, #tpu.memory_space<hbm>>
          tpu.enqueue_indirect_dma source(%dma_start3A_252 : memref<10000x128xf32, #tpu.memory_space<hbm>>) target(%dma_start3A_246 : memref<32x128xf32, #tpu.memory_space<vmem>>) offsets(%dma_start3A_249 : memref<32xi32, #tpu.memory_space<vmem>>) semaphore(%arg12 : memref<!tpu.dma_semaphore, #tpu.memory_space<semaphore_mem>>)
        } else {
        }
      } else {
      }
    }
    %while3A_98 = arith.constant 1 : i32
    scf.for %while3A_100 = %while3A_96 to %while3A_92 step %while3A_98  : i32 {
      %jit3A_101 = arith.constant 8 : i32
      %eq3A_102 = arith.constant 0 : i32
      %eq3A_103 = arith.cmpi eq, %jit3A_101, %eq3A_102 : i32
      %jit3A_104 = arith.constant 1 : i32
      %select_n3A_105 = arith.select %eq3A_103, %jit3A_104, %jit3A_101 : i32
      %rem3A = arith.remsi %while3A_100, %select_n3A_105 : i32
      %ne3A = arith.constant 0 : i32
      %ne3A_106 = arith.cmpi ne, %rem3A, %ne3A : i32
      %lt3A = arith.constant 0 : i32
      %lt3A_107 = arith.cmpi slt, %rem3A, %lt3A : i32
      %lt3A_108 = arith.constant 0 : i32
      %lt3A_109 = arith.cmpi slt, %select_n3A_105, %lt3A_108 : i32
      %ne3A_110 = arith.xori %lt3A_107, %lt3A_109 : i1
      %and3A = arith.andi %ne3A_110, %ne3A_106 : i1
      %add3A_111 = arith.addi %rem3A, %select_n3A_105 : i32
      %select_n3A_112 = arith.select %and3A, %add3A_111, %rem3A : i32
      %eq3A_113 = arith.constant 0 : i32
      %eq3A_114 = arith.cmpi eq, %select_n3A_112, %eq3A_113 : i32
      %convert_element_type3A = arith.extui %eq3A_114 : i1 to i32
      %cond3A = arith.constant 0 : i32
      %cond3A_115 = arith.cmpi ne, %convert_element_type3A, %cond3A : i32
      scf.if %cond3A_115 {
        %jit3A_158 = arith.constant 8 : i32
        %div3A = arith.divsi %while3A_100, %jit3A_158 : i32
        %sign3A = arith.constant 0 : i32
        %sign3A_159 = arith.cmpi sgt, %while3A_100, %sign3A : i32
        %sign3A_160 = arith.extui %sign3A_159 : i1 to i32
        %sign3A_161 = arith.constant 0 : i32
        %sign3A_162 = arith.cmpi slt, %while3A_100, %sign3A_161 : i32
        %sign3A_163 = arith.extui %sign3A_162 : i1 to i32
        %sign3A_164 = arith.subi %sign3A_160, %sign3A_163 : i32
        %sign3A_165 = arith.constant 0 : i32
        %sign3A_166 = arith.cmpi sgt, %jit3A_158, %sign3A_165 : i32
        %sign3A_167 = arith.extui %sign3A_166 : i1 to i32
        %sign3A_168 = arith.constant 0 : i32
        %sign3A_169 = arith.cmpi slt, %jit3A_158, %sign3A_168 : i32
        %sign3A_170 = arith.extui %sign3A_169 : i1 to i32
        %sign3A_171 = arith.subi %sign3A_167, %sign3A_170 : i32
        %ne3A_172 = arith.cmpi ne, %sign3A_164, %sign3A_171 : i32
        %rem3A_173 = arith.remsi %while3A_100, %jit3A_158 : i32
        %ne3A_174 = arith.constant 0 : i32
        %ne3A_175 = arith.cmpi ne, %rem3A_173, %ne3A_174 : i32
        %and3A_176 = arith.andi %ne3A_172, %ne3A_175 : i1
        %sub3A = arith.constant 1 : i32
        %sub3A_177 = arith.subi %div3A, %sub3A : i32
        %select_n3A_178 = arith.select %and3A_176, %sub3A_177, %div3A : i32
        %mul3A_179 = arith.constant 8 : i32
        %mul3A_180 = arith.muli %select_n3A_178, %mul3A_179 : i32
        %add3A_181 = arith.addi %multiple_of3A, %mul3A_180 : i32
        "tpu.region"() ({
          %run_scoped3A = tpu.sem_alloc : memref<!tpu.dma_semaphore, #tpu.memory_space<semaphore_mem>>
          %dma_start3A_182 = arith.constant 0 : i32
          %dma_start3A_183 = tpu.memref_slice %arg3[%add3A_181, %dma_start3A_182] : memref<2560x128xi32, #tpu.memory_space<hbm>> -> memref<8x128xi32, #tpu.memory_space<hbm>>
          %dma_start3A_184 = arith.constant 0 : i32
          %dma_start3A_185 = tpu.memref_slice %arg3[%add3A_181, %dma_start3A_184] : memref<2560x128xi32, #tpu.memory_space<hbm>> -> memref<8x128xi32, #tpu.memory_space<hbm>>
          tpu.enqueue_dma source(%dma_start3A_185 : memref<8x128xi32, #tpu.memory_space<hbm>>) target(%arg8 : memref<8x128xi32, #tpu.memory_space<vmem>>) target_semaphore(%run_scoped3A : memref<!tpu.dma_semaphore, #tpu.memory_space<semaphore_mem>>)
          %dma_wait3A = arith.constant 0 : i32
          %dma_wait3A_186 = tpu.memref_slice %arg3[%add3A_181, %dma_wait3A] : memref<2560x128xi32, #tpu.memory_space<hbm>> -> memref<8x128xi32, #tpu.memory_space<hbm>>
          %dma_wait3A_187 = arith.constant 0 : i32
          %dma_wait3A_188 = tpu.memref_slice %arg3[%add3A_181, %dma_wait3A_187] : memref<2560x128xi32, #tpu.memory_space<hbm>> -> memref<8x128xi32, #tpu.memory_space<hbm>>
          tpu.wait_dma2 semaphore(%run_scoped3A : memref<!tpu.dma_semaphore, #tpu.memory_space<semaphore_mem>>) src(%dma_wait3A_188 : memref<8x128xi32, #tpu.memory_space<hbm>>) dst(%arg8 : memref<8x128xi32, #tpu.memory_space<vmem>>)
          tpu.yield
        }) : () -> ()
      } else {
      }
      %jit3A_116 = arith.constant 2 : i32
      %eq3A_117 = arith.constant 0 : i32
      %eq3A_118 = arith.cmpi eq, %jit3A_116, %eq3A_117 : i32
      %jit3A_119 = arith.constant 1 : i32
      %select_n3A_120 = arith.select %eq3A_118, %jit3A_119, %jit3A_116 : i32
      %rem3A_121 = arith.remsi %while3A_100, %select_n3A_120 : i32
      %ne3A_122 = arith.constant 0 : i32
      %ne3A_123 = arith.cmpi ne, %rem3A_121, %ne3A_122 : i32
      %lt3A_124 = arith.constant 0 : i32
      %lt3A_125 = arith.cmpi slt, %rem3A_121, %lt3A_124 : i32
      %lt3A_126 = arith.constant 0 : i32
      %lt3A_127 = arith.cmpi slt, %select_n3A_120, %lt3A_126 : i32
      %ne3A_128 = arith.xori %lt3A_125, %lt3A_127 : i1
      %and3A_129 = arith.andi %ne3A_128, %ne3A_123 : i1
      %add3A_130 = arith.addi %rem3A_121, %select_n3A_120 : i32
      %select_n3A_131 = arith.select %and3A_129, %add3A_130, %rem3A_121 : i32
      %eq3A_132 = arith.constant 0 : i32
      %eq3A_133 = arith.cmpi eq, %select_n3A_131, %eq3A_132 : i32
      %convert_element_type3A_134 = arith.extui %eq3A_133 : i1 to i32
      %cond3A_135 = arith.constant 0 : i32
      %cond3A_136 = arith.cmpi ne, %convert_element_type3A_134, %cond3A_135 : i32
      scf.if %cond3A_136 {
        %dma_wait3A = arith.constant 0 : i32
        %dma_wait3A_158 = arith.constant 0 : i32
        %dma_wait3A_159 = tpu.memref_slice %arg9[%dma_wait3A, %dma_wait3A_158] : memref<256x128xf32, #tpu.memory_space<vmem>> -> memref<32x128xf32, #tpu.memory_space<vmem>>
        %dma_wait3A_160 = arith.constant 0 : i32
        %dma_wait3A_161 = tpu.memref_slice %arg7[%while3A_100, %dma_wait3A_160] : memref<80x128xi32, #tpu.memory_space<vmem>> -> memref<1x32xi32, #tpu.memory_space<vmem>>
        %dma_wait3A_162 = tpu.memref_squeeze %dma_wait3A_161 : memref<1x32xi32, #tpu.memory_space<vmem>> -> memref<32xi32, #tpu.memory_space<vmem>>
        %dma_wait3A_163 = arith.constant 0 : i32
        %dma_wait3A_164 = arith.constant 0 : i32
        %dma_wait3A_165 = tpu.memref_slice %arg4[%dma_wait3A_163, %dma_wait3A_164] : memref<10000x128xf32, #tpu.memory_space<hbm>> -> memref<10000x128xf32, #tpu.memory_space<hbm>>
        tpu.wait_indirect_dma semaphore(%arg11 : memref<!tpu.dma_semaphore, #tpu.memory_space<semaphore_mem>>) src(%dma_wait3A_165 : memref<10000x128xf32, #tpu.memory_space<hbm>>) dst(%dma_wait3A_159 : memref<32x128xf32, #tpu.memory_space<vmem>>)
        %dma_wait3A_166 = arith.constant 32 : i32
        %dma_wait3A_167 = arith.constant 0 : i32
        %dma_wait3A_168 = tpu.memref_slice %arg9[%dma_wait3A_166, %dma_wait3A_167] : memref<256x128xf32, #tpu.memory_space<vmem>> -> memref<32x128xf32, #tpu.memory_space<vmem>>
        %dma_wait3A_169 = arith.constant 32 : i32
        %dma_wait3A_170 = tpu.memref_slice %arg7[%while3A_100, %dma_wait3A_169] : memref<80x128xi32, #tpu.memory_space<vmem>> -> memref<1x32xi32, #tpu.memory_space<vmem>>
        %dma_wait3A_171 = tpu.memref_squeeze %dma_wait3A_170 : memref<1x32xi32, #tpu.memory_space<vmem>> -> memref<32xi32, #tpu.memory_space<vmem>>
        %dma_wait3A_172 = arith.constant 0 : i32
        %dma_wait3A_173 = arith.constant 0 : i32
        %dma_wait3A_174 = tpu.memref_slice %arg4[%dma_wait3A_172, %dma_wait3A_173] : memref<10000x128xf32, #tpu.memory_space<hbm>> -> memref<10000x128xf32, #tpu.memory_space<hbm>>
        tpu.wait_indirect_dma semaphore(%arg11 : memref<!tpu.dma_semaphore, #tpu.memory_space<semaphore_mem>>) src(%dma_wait3A_174 : memref<10000x128xf32, #tpu.memory_space<hbm>>) dst(%dma_wait3A_168 : memref<32x128xf32, #tpu.memory_space<vmem>>)
        %dma_wait3A_175 = arith.constant 64 : i32
        %dma_wait3A_176 = arith.constant 0 : i32
        %dma_wait3A_177 = tpu.memref_slice %arg9[%dma_wait3A_175, %dma_wait3A_176] : memref<256x128xf32, #tpu.memory_space<vmem>> -> memref<32x128xf32, #tpu.memory_space<vmem>>
        %dma_wait3A_178 = arith.constant 64 : i32
        %dma_wait3A_179 = tpu.memref_slice %arg7[%while3A_100, %dma_wait3A_178] : memref<80x128xi32, #tpu.memory_space<vmem>> -> memref<1x32xi32, #tpu.memory_space<vmem>>
        %dma_wait3A_180 = tpu.memref_squeeze %dma_wait3A_179 : memref<1x32xi32, #tpu.memory_space<vmem>> -> memref<32xi32, #tpu.memory_space<vmem>>
        %dma_wait3A_181 = arith.constant 0 : i32
        %dma_wait3A_182 = arith.constant 0 : i32
        %dma_wait3A_183 = tpu.memref_slice %arg4[%dma_wait3A_181, %dma_wait3A_182] : memref<10000x128xf32, #tpu.memory_space<hbm>> -> memref<10000x128xf32, #tpu.memory_space<hbm>>
        tpu.wait_indirect_dma semaphore(%arg11 : memref<!tpu.dma_semaphore, #tpu.memory_space<semaphore_mem>>) src(%dma_wait3A_183 : memref<10000x128xf32, #tpu.memory_space<hbm>>) dst(%dma_wait3A_177 : memref<32x128xf32, #tpu.memory_space<vmem>>)
        %dma_wait3A_184 = arith.constant 96 : i32
        %dma_wait3A_185 = arith.constant 0 : i32
        %dma_wait3A_186 = tpu.memref_slice %arg9[%dma_wait3A_184, %dma_wait3A_185] : memref<256x128xf32, #tpu.memory_space<vmem>> -> memref<32x128xf32, #tpu.memory_space<vmem>>
        %dma_wait3A_187 = arith.constant 96 : i32
        %dma_wait3A_188 = tpu.memref_slice %arg7[%while3A_100, %dma_wait3A_187] : memref<80x128xi32, #tpu.memory_space<vmem>> -> memref<1x32xi32, #tpu.memory_space<vmem>>
        %dma_wait3A_189 = tpu.memref_squeeze %dma_wait3A_188 : memref<1x32xi32, #tpu.memory_space<vmem>> -> memref<32xi32, #tpu.memory_space<vmem>>
        %dma_wait3A_190 = arith.constant 0 : i32
        %dma_wait3A_191 = arith.constant 0 : i32
        %dma_wait3A_192 = tpu.memref_slice %arg4[%dma_wait3A_190, %dma_wait3A_191] : memref<10000x128xf32, #tpu.memory_space<hbm>> -> memref<10000x128xf32, #tpu.memory_space<hbm>>
        tpu.wait_indirect_dma semaphore(%arg11 : memref<!tpu.dma_semaphore, #tpu.memory_space<semaphore_mem>>) src(%dma_wait3A_192 : memref<10000x128xf32, #tpu.memory_space<hbm>>) dst(%dma_wait3A_186 : memref<32x128xf32, #tpu.memory_space<vmem>>)
        %jit3A_193 = arith.constant 8 : i32
        %eq3A_194 = arith.constant 0 : i32
        %eq3A_195 = arith.cmpi eq, %jit3A_193, %eq3A_194 : i32
        %jit3A_196 = arith.constant 1 : i32
        %select_n3A_197 = arith.select %eq3A_195, %jit3A_196, %jit3A_193 : i32
        %rem3A_198 = arith.remsi %while3A_100, %select_n3A_197 : i32
        %ne3A_199 = arith.constant 0 : i32
        %ne3A_200 = arith.cmpi ne, %rem3A_198, %ne3A_199 : i32
        %lt3A_201 = arith.constant 0 : i32
        %lt3A_202 = arith.cmpi slt, %rem3A_198, %lt3A_201 : i32
        %lt3A_203 = arith.constant 0 : i32
        %lt3A_204 = arith.cmpi slt, %select_n3A_197, %lt3A_203 : i32
        %ne3A_205 = arith.xori %lt3A_202, %lt3A_204 : i1
        %and3A_206 = arith.andi %ne3A_205, %ne3A_200 : i1
        %add3A_207 = arith.addi %rem3A_198, %select_n3A_197 : i32
        %select_n3A_208 = arith.select %and3A_206, %add3A_207, %rem3A_198 : i32
        "tpu.region"() ({
          %run_scoped3A = tpu.sem_alloc : memref<!tpu.dma_semaphore, #tpu.memory_space<semaphore_mem>>
          %dma_start3A_215 = arith.constant 0 : i32
          %dma_start3A_216 = arith.constant 0 : i32
          %dma_start3A_217 = tpu.memref_slice %arg9[%dma_start3A_215, %dma_start3A_216] : memref<256x128xf32, #tpu.memory_space<vmem>> -> memref<128x128xf32, #tpu.memory_space<vmem>>
          %dma_start3A_218 = arith.constant 0 : i32
          %dma_start3A_219 = tpu.memref_slice %arg8[%select_n3A_208, %dma_start3A_218] : memref<8x128xi32, #tpu.memory_space<vmem>> -> memref<1x128xi32, #tpu.memory_space<vmem>>
          %dma_start3A_220 = tpu.memref_squeeze %dma_start3A_219 : memref<1x128xi32, #tpu.memory_space<vmem>> -> memref<128xi32, #tpu.memory_space<vmem>>
          %dma_start3A_221 = arith.constant 0 : i32
          %dma_start3A_222 = arith.constant 0 : i32
          %dma_start3A_223 = tpu.memref_slice %arg10[%dma_start3A_221, %dma_start3A_222] : memref<10240x128xf32, #tpu.memory_space<vmem_shared>> -> memref<10240x128xf32, #tpu.memory_space<vmem_shared>>
          tpu.enqueue_indirect_dma source(%dma_start3A_217 : memref<128x128xf32, #tpu.memory_space<vmem>>) target(%dma_start3A_223 : memref<10240x128xf32, #tpu.memory_space<vmem_shared>>) offsets(%dma_start3A_220 : memref<128xi32, #tpu.memory_space<vmem>>) semaphore(%run_scoped3A : memref<!tpu.dma_semaphore, #tpu.memory_space<semaphore_mem>>) {add = true}
          %dma_wait3A_224 = arith.constant 0 : i32
          %dma_wait3A_225 = arith.constant 0 : i32
          %dma_wait3A_226 = tpu.memref_slice %arg9[%dma_wait3A_224, %dma_wait3A_225] : memref<256x128xf32, #tpu.memory_space<vmem>> -> memref<128x128xf32, #tpu.memory_space<vmem>>
          %dma_wait3A_227 = arith.constant 0 : i32
          %dma_wait3A_228 = tpu.memref_slice %arg8[%select_n3A_208, %dma_wait3A_227] : memref<8x128xi32, #tpu.memory_space<vmem>> -> memref<1x128xi32, #tpu.memory_space<vmem>>
          %dma_wait3A_229 = tpu.memref_squeeze %dma_wait3A_228 : memref<1x128xi32, #tpu.memory_space<vmem>> -> memref<128xi32, #tpu.memory_space<vmem>>
          %dma_wait3A_230 = arith.constant 0 : i32
          %dma_wait3A_231 = arith.constant 0 : i32
          %dma_wait3A_232 = tpu.memref_slice %arg10[%dma_wait3A_230, %dma_wait3A_231] : memref<10240x128xf32, #tpu.memory_space<vmem_shared>> -> memref<10240x128xf32, #tpu.memory_space<vmem_shared>>
          tpu.wait_indirect_dma semaphore(%run_scoped3A : memref<!tpu.dma_semaphore, #tpu.memory_space<semaphore_mem>>) src(%dma_wait3A_226 : memref<128x128xf32, #tpu.memory_space<vmem>>) dst(%dma_wait3A_232 : memref<10240x128xf32, #tpu.memory_space<vmem_shared>>)
          tpu.yield
        }) : () -> ()
        %add3A_209 = arith.constant 2 : i32
        %add3A_210 = arith.addi %while3A_100, %add3A_209 : i32
        %lt3A_211 = arith.cmpi slt, %add3A_210, %select_n3A : i32
        %convert_element_type3A_212 = arith.extui %lt3A_211 : i1 to i32
        %cond3A_213 = arith.constant 0 : i32
        %cond3A_214 = arith.cmpi ne, %convert_element_type3A_212, %cond3A_213 : i32
        scf.if %cond3A_214 {
          %add3A_215 = arith.constant 2 : i32
          %add3A_216 = arith.addi %while3A_100, %add3A_215 : i32
          %dma_start3A_217 = arith.constant 0 : i32
          %dma_start3A_218 = arith.constant 0 : i32
          %dma_start3A_219 = tpu.memref_slice %arg9[%dma_start3A_217, %dma_start3A_218] : memref<256x128xf32, #tpu.memory_space<vmem>> -> memref<32x128xf32, #tpu.memory_space<vmem>>
          %dma_start3A_220 = arith.constant 0 : i32
          %dma_start3A_221 = tpu.memref_slice %arg7[%add3A_216, %dma_start3A_220] : memref<80x128xi32, #tpu.memory_space<vmem>> -> memref<1x32xi32, #tpu.memory_space<vmem>>
          %dma_start3A_222 = tpu.memref_squeeze %dma_start3A_221 : memref<1x32xi32, #tpu.memory_space<vmem>> -> memref<32xi32, #tpu.memory_space<vmem>>
          %dma_start3A_223 = arith.constant 0 : i32
          %dma_start3A_224 = arith.constant 0 : i32
          %dma_start3A_225 = tpu.memref_slice %arg4[%dma_start3A_223, %dma_start3A_224] : memref<10000x128xf32, #tpu.memory_space<hbm>> -> memref<10000x128xf32, #tpu.memory_space<hbm>>
          tpu.enqueue_indirect_dma source(%dma_start3A_225 : memref<10000x128xf32, #tpu.memory_space<hbm>>) target(%dma_start3A_219 : memref<32x128xf32, #tpu.memory_space<vmem>>) offsets(%dma_start3A_222 : memref<32xi32, #tpu.memory_space<vmem>>) semaphore(%arg11 : memref<!tpu.dma_semaphore, #tpu.memory_space<semaphore_mem>>)
          %dma_start3A_226 = arith.constant 32 : i32
          %dma_start3A_227 = arith.constant 0 : i32
          %dma_start3A_228 = tpu.memref_slice %arg9[%dma_start3A_226, %dma_start3A_227] : memref<256x128xf32, #tpu.memory_space<vmem>> -> memref<32x128xf32, #tpu.memory_space<vmem>>
          %dma_start3A_229 = arith.constant 32 : i32
          %dma_start3A_230 = tpu.memref_slice %arg7[%add3A_216, %dma_start3A_229] : memref<80x128xi32, #tpu.memory_space<vmem>> -> memref<1x32xi32, #tpu.memory_space<vmem>>
          %dma_start3A_231 = tpu.memref_squeeze %dma_start3A_230 : memref<1x32xi32, #tpu.memory_space<vmem>> -> memref<32xi32, #tpu.memory_space<vmem>>
          %dma_start3A_232 = arith.constant 0 : i32
          %dma_start3A_233 = arith.constant 0 : i32
          %dma_start3A_234 = tpu.memref_slice %arg4[%dma_start3A_232, %dma_start3A_233] : memref<10000x128xf32, #tpu.memory_space<hbm>> -> memref<10000x128xf32, #tpu.memory_space<hbm>>
          tpu.enqueue_indirect_dma source(%dma_start3A_234 : memref<10000x128xf32, #tpu.memory_space<hbm>>) target(%dma_start3A_228 : memref<32x128xf32, #tpu.memory_space<vmem>>) offsets(%dma_start3A_231 : memref<32xi32, #tpu.memory_space<vmem>>) semaphore(%arg11 : memref<!tpu.dma_semaphore, #tpu.memory_space<semaphore_mem>>)
          %dma_start3A_235 = arith.constant 64 : i32
          %dma_start3A_236 = arith.constant 0 : i32
          %dma_start3A_237 = tpu.memref_slice %arg9[%dma_start3A_235, %dma_start3A_236] : memref<256x128xf32, #tpu.memory_space<vmem>> -> memref<32x128xf32, #tpu.memory_space<vmem>>
          %dma_start3A_238 = arith.constant 64 : i32
          %dma_start3A_239 = tpu.memref_slice %arg7[%add3A_216, %dma_start3A_238] : memref<80x128xi32, #tpu.memory_space<vmem>> -> memref<1x32xi32, #tpu.memory_space<vmem>>
          %dma_start3A_240 = tpu.memref_squeeze %dma_start3A_239 : memref<1x32xi32, #tpu.memory_space<vmem>> -> memref<32xi32, #tpu.memory_space<vmem>>
          %dma_start3A_241 = arith.constant 0 : i32
          %dma_start3A_242 = arith.constant 0 : i32
          %dma_start3A_243 = tpu.memref_slice %arg4[%dma_start3A_241, %dma_start3A_242] : memref<10000x128xf32, #tpu.memory_space<hbm>> -> memref<10000x128xf32, #tpu.memory_space<hbm>>
          tpu.enqueue_indirect_dma source(%dma_start3A_243 : memref<10000x128xf32, #tpu.memory_space<hbm>>) target(%dma_start3A_237 : memref<32x128xf32, #tpu.memory_space<vmem>>) offsets(%dma_start3A_240 : memref<32xi32, #tpu.memory_space<vmem>>) semaphore(%arg11 : memref<!tpu.dma_semaphore, #tpu.memory_space<semaphore_mem>>)
          %dma_start3A_244 = arith.constant 96 : i32
          %dma_start3A_245 = arith.constant 0 : i32
          %dma_start3A_246 = tpu.memref_slice %arg9[%dma_start3A_244, %dma_start3A_245] : memref<256x128xf32, #tpu.memory_space<vmem>> -> memref<32x128xf32, #tpu.memory_space<vmem>>
          %dma_start3A_247 = arith.constant 96 : i32
          %dma_start3A_248 = tpu.memref_slice %arg7[%add3A_216, %dma_start3A_247] : memref<80x128xi32, #tpu.memory_space<vmem>> -> memref<1x32xi32, #tpu.memory_space<vmem>>
          %dma_start3A_249 = tpu.memref_squeeze %dma_start3A_248 : memref<1x32xi32, #tpu.memory_space<vmem>> -> memref<32xi32, #tpu.memory_space<vmem>>
          %dma_start3A_250 = arith.constant 0 : i32
          %dma_start3A_251 = arith.constant 0 : i32
          %dma_start3A_252 = tpu.memref_slice %arg4[%dma_start3A_250, %dma_start3A_251] : memref<10000x128xf32, #tpu.memory_space<hbm>> -> memref<10000x128xf32, #tpu.memory_space<hbm>>
          tpu.enqueue_indirect_dma source(%dma_start3A_252 : memref<10000x128xf32, #tpu.memory_space<hbm>>) target(%dma_start3A_246 : memref<32x128xf32, #tpu.memory_space<vmem>>) offsets(%dma_start3A_249 : memref<32xi32, #tpu.memory_space<vmem>>) semaphore(%arg11 : memref<!tpu.dma_semaphore, #tpu.memory_space<semaphore_mem>>)
        } else {
        }
      } else {
      }
      %jit3A_137 = arith.constant 2 : i32
      %eq3A_138 = arith.constant 0 : i32
      %eq3A_139 = arith.cmpi eq, %jit3A_137, %eq3A_138 : i32
      %jit3A_140 = arith.constant 1 : i32
      %select_n3A_141 = arith.select %eq3A_139, %jit3A_140, %jit3A_137 : i32
      %rem3A_142 = arith.remsi %while3A_100, %select_n3A_141 : i32
      %ne3A_143 = arith.constant 0 : i32
      %ne3A_144 = arith.cmpi ne, %rem3A_142, %ne3A_143 : i32
      %lt3A_145 = arith.constant 0 : i32
      %lt3A_146 = arith.cmpi slt, %rem3A_142, %lt3A_145 : i32
      %lt3A_147 = arith.constant 0 : i32
      %lt3A_148 = arith.cmpi slt, %select_n3A_141, %lt3A_147 : i32
      %ne3A_149 = arith.xori %lt3A_146, %lt3A_148 : i1
      %and3A_150 = arith.andi %ne3A_149, %ne3A_144 : i1
      %add3A_151 = arith.addi %rem3A_142, %select_n3A_141 : i32
      %select_n3A_152 = arith.select %and3A_150, %add3A_151, %rem3A_142 : i32
      %eq3A_153 = arith.constant 1 : i32
      %eq3A_154 = arith.cmpi eq, %select_n3A_152, %eq3A_153 : i32
      %convert_element_type3A_155 = arith.extui %eq3A_154 : i1 to i32
      %cond3A_156 = arith.constant 0 : i32
      %cond3A_157 = arith.cmpi ne, %convert_element_type3A_155, %cond3A_156 : i32
      scf.if %cond3A_157 {
        %dma_wait3A = arith.constant 128 : i32
        %dma_wait3A_158 = arith.constant 0 : i32
        %dma_wait3A_159 = tpu.memref_slice %arg9[%dma_wait3A, %dma_wait3A_158] : memref<256x128xf32, #tpu.memory_space<vmem>> -> memref<32x128xf32, #tpu.memory_space<vmem>>
        %dma_wait3A_160 = arith.constant 0 : i32
        %dma_wait3A_161 = tpu.memref_slice %arg7[%while3A_100, %dma_wait3A_160] : memref<80x128xi32, #tpu.memory_space<vmem>> -> memref<1x32xi32, #tpu.memory_space<vmem>>
        %dma_wait3A_162 = tpu.memref_squeeze %dma_wait3A_161 : memref<1x32xi32, #tpu.memory_space<vmem>> -> memref<32xi32, #tpu.memory_space<vmem>>
        %dma_wait3A_163 = arith.constant 0 : i32
        %dma_wait3A_164 = arith.constant 0 : i32
        %dma_wait3A_165 = tpu.memref_slice %arg4[%dma_wait3A_163, %dma_wait3A_164] : memref<10000x128xf32, #tpu.memory_space<hbm>> -> memref<10000x128xf32, #tpu.memory_space<hbm>>
        tpu.wait_indirect_dma semaphore(%arg12 : memref<!tpu.dma_semaphore, #tpu.memory_space<semaphore_mem>>) src(%dma_wait3A_165 : memref<10000x128xf32, #tpu.memory_space<hbm>>) dst(%dma_wait3A_159 : memref<32x128xf32, #tpu.memory_space<vmem>>)
        %dma_wait3A_166 = arith.constant 160 : i32
        %dma_wait3A_167 = arith.constant 0 : i32
        %dma_wait3A_168 = tpu.memref_slice %arg9[%dma_wait3A_166, %dma_wait3A_167] : memref<256x128xf32, #tpu.memory_space<vmem>> -> memref<32x128xf32, #tpu.memory_space<vmem>>
        %dma_wait3A_169 = arith.constant 32 : i32
        %dma_wait3A_170 = tpu.memref_slice %arg7[%while3A_100, %dma_wait3A_169] : memref<80x128xi32, #tpu.memory_space<vmem>> -> memref<1x32xi32, #tpu.memory_space<vmem>>
        %dma_wait3A_171 = tpu.memref_squeeze %dma_wait3A_170 : memref<1x32xi32, #tpu.memory_space<vmem>> -> memref<32xi32, #tpu.memory_space<vmem>>
        %dma_wait3A_172 = arith.constant 0 : i32
        %dma_wait3A_173 = arith.constant 0 : i32
        %dma_wait3A_174 = tpu.memref_slice %arg4[%dma_wait3A_172, %dma_wait3A_173] : memref<10000x128xf32, #tpu.memory_space<hbm>> -> memref<10000x128xf32, #tpu.memory_space<hbm>>
        tpu.wait_indirect_dma semaphore(%arg12 : memref<!tpu.dma_semaphore, #tpu.memory_space<semaphore_mem>>) src(%dma_wait3A_174 : memref<10000x128xf32, #tpu.memory_space<hbm>>) dst(%dma_wait3A_168 : memref<32x128xf32, #tpu.memory_space<vmem>>)
        %dma_wait3A_175 = arith.constant 192 : i32
        %dma_wait3A_176 = arith.constant 0 : i32
        %dma_wait3A_177 = tpu.memref_slice %arg9[%dma_wait3A_175, %dma_wait3A_176] : memref<256x128xf32, #tpu.memory_space<vmem>> -> memref<32x128xf32, #tpu.memory_space<vmem>>
        %dma_wait3A_178 = arith.constant 64 : i32
        %dma_wait3A_179 = tpu.memref_slice %arg7[%while3A_100, %dma_wait3A_178] : memref<80x128xi32, #tpu.memory_space<vmem>> -> memref<1x32xi32, #tpu.memory_space<vmem>>
        %dma_wait3A_180 = tpu.memref_squeeze %dma_wait3A_179 : memref<1x32xi32, #tpu.memory_space<vmem>> -> memref<32xi32, #tpu.memory_space<vmem>>
        %dma_wait3A_181 = arith.constant 0 : i32
        %dma_wait3A_182 = arith.constant 0 : i32
        %dma_wait3A_183 = tpu.memref_slice %arg4[%dma_wait3A_181, %dma_wait3A_182] : memref<10000x128xf32, #tpu.memory_space<hbm>> -> memref<10000x128xf32, #tpu.memory_space<hbm>>
        tpu.wait_indirect_dma semaphore(%arg12 : memref<!tpu.dma_semaphore, #tpu.memory_space<semaphore_mem>>) src(%dma_wait3A_183 : memref<10000x128xf32, #tpu.memory_space<hbm>>) dst(%dma_wait3A_177 : memref<32x128xf32, #tpu.memory_space<vmem>>)
        %dma_wait3A_184 = arith.constant 224 : i32
        %dma_wait3A_185 = arith.constant 0 : i32
        %dma_wait3A_186 = tpu.memref_slice %arg9[%dma_wait3A_184, %dma_wait3A_185] : memref<256x128xf32, #tpu.memory_space<vmem>> -> memref<32x128xf32, #tpu.memory_space<vmem>>
        %dma_wait3A_187 = arith.constant 96 : i32
        %dma_wait3A_188 = tpu.memref_slice %arg7[%while3A_100, %dma_wait3A_187] : memref<80x128xi32, #tpu.memory_space<vmem>> -> memref<1x32xi32, #tpu.memory_space<vmem>>
        %dma_wait3A_189 = tpu.memref_squeeze %dma_wait3A_188 : memref<1x32xi32, #tpu.memory_space<vmem>> -> memref<32xi32, #tpu.memory_space<vmem>>
        %dma_wait3A_190 = arith.constant 0 : i32
        %dma_wait3A_191 = arith.constant 0 : i32
        %dma_wait3A_192 = tpu.memref_slice %arg4[%dma_wait3A_190, %dma_wait3A_191] : memref<10000x128xf32, #tpu.memory_space<hbm>> -> memref<10000x128xf32, #tpu.memory_space<hbm>>
        tpu.wait_indirect_dma semaphore(%arg12 : memref<!tpu.dma_semaphore, #tpu.memory_space<semaphore_mem>>) src(%dma_wait3A_192 : memref<10000x128xf32, #tpu.memory_space<hbm>>) dst(%dma_wait3A_186 : memref<32x128xf32, #tpu.memory_space<vmem>>)
        %jit3A_193 = arith.constant 8 : i32
        %eq3A_194 = arith.constant 0 : i32
        %eq3A_195 = arith.cmpi eq, %jit3A_193, %eq3A_194 : i32
        %jit3A_196 = arith.constant 1 : i32
        %select_n3A_197 = arith.select %eq3A_195, %jit3A_196, %jit3A_193 : i32
        %rem3A_198 = arith.remsi %while3A_100, %select_n3A_197 : i32
        %ne3A_199 = arith.constant 0 : i32
        %ne3A_200 = arith.cmpi ne, %rem3A_198, %ne3A_199 : i32
        %lt3A_201 = arith.constant 0 : i32
        %lt3A_202 = arith.cmpi slt, %rem3A_198, %lt3A_201 : i32
        %lt3A_203 = arith.constant 0 : i32
        %lt3A_204 = arith.cmpi slt, %select_n3A_197, %lt3A_203 : i32
        %ne3A_205 = arith.xori %lt3A_202, %lt3A_204 : i1
        %and3A_206 = arith.andi %ne3A_205, %ne3A_200 : i1
        %add3A_207 = arith.addi %rem3A_198, %select_n3A_197 : i32
        %select_n3A_208 = arith.select %and3A_206, %add3A_207, %rem3A_198 : i32
        "tpu.region"() ({
          %run_scoped3A = tpu.sem_alloc : memref<!tpu.dma_semaphore, #tpu.memory_space<semaphore_mem>>
          %dma_start3A_215 = arith.constant 128 : i32
          %dma_start3A_216 = arith.constant 0 : i32
          %dma_start3A_217 = tpu.memref_slice %arg9[%dma_start3A_215, %dma_start3A_216] : memref<256x128xf32, #tpu.memory_space<vmem>> -> memref<128x128xf32, #tpu.memory_space<vmem>>
          %dma_start3A_218 = arith.constant 0 : i32
          %dma_start3A_219 = tpu.memref_slice %arg8[%select_n3A_208, %dma_start3A_218] : memref<8x128xi32, #tpu.memory_space<vmem>> -> memref<1x128xi32, #tpu.memory_space<vmem>>
          %dma_start3A_220 = tpu.memref_squeeze %dma_start3A_219 : memref<1x128xi32, #tpu.memory_space<vmem>> -> memref<128xi32, #tpu.memory_space<vmem>>
          %dma_start3A_221 = arith.constant 0 : i32
          %dma_start3A_222 = arith.constant 0 : i32
          %dma_start3A_223 = tpu.memref_slice %arg10[%dma_start3A_221, %dma_start3A_222] : memref<10240x128xf32, #tpu.memory_space<vmem_shared>> -> memref<10240x128xf32, #tpu.memory_space<vmem_shared>>
          tpu.enqueue_indirect_dma source(%dma_start3A_217 : memref<128x128xf32, #tpu.memory_space<vmem>>) target(%dma_start3A_223 : memref<10240x128xf32, #tpu.memory_space<vmem_shared>>) offsets(%dma_start3A_220 : memref<128xi32, #tpu.memory_space<vmem>>) semaphore(%run_scoped3A : memref<!tpu.dma_semaphore, #tpu.memory_space<semaphore_mem>>) {add = true}
          %dma_wait3A_224 = arith.constant 128 : i32
          %dma_wait3A_225 = arith.constant 0 : i32
          %dma_wait3A_226 = tpu.memref_slice %arg9[%dma_wait3A_224, %dma_wait3A_225] : memref<256x128xf32, #tpu.memory_space<vmem>> -> memref<128x128xf32, #tpu.memory_space<vmem>>
          %dma_wait3A_227 = arith.constant 0 : i32
          %dma_wait3A_228 = tpu.memref_slice %arg8[%select_n3A_208, %dma_wait3A_227] : memref<8x128xi32, #tpu.memory_space<vmem>> -> memref<1x128xi32, #tpu.memory_space<vmem>>
          %dma_wait3A_229 = tpu.memref_squeeze %dma_wait3A_228 : memref<1x128xi32, #tpu.memory_space<vmem>> -> memref<128xi32, #tpu.memory_space<vmem>>
          %dma_wait3A_230 = arith.constant 0 : i32
          %dma_wait3A_231 = arith.constant 0 : i32
          %dma_wait3A_232 = tpu.memref_slice %arg10[%dma_wait3A_230, %dma_wait3A_231] : memref<10240x128xf32, #tpu.memory_space<vmem_shared>> -> memref<10240x128xf32, #tpu.memory_space<vmem_shared>>
          tpu.wait_indirect_dma semaphore(%run_scoped3A : memref<!tpu.dma_semaphore, #tpu.memory_space<semaphore_mem>>) src(%dma_wait3A_226 : memref<128x128xf32, #tpu.memory_space<vmem>>) dst(%dma_wait3A_232 : memref<10240x128xf32, #tpu.memory_space<vmem_shared>>)
          tpu.yield
        }) : () -> ()
        %add3A_209 = arith.constant 2 : i32
        %add3A_210 = arith.addi %while3A_100, %add3A_209 : i32
        %lt3A_211 = arith.cmpi slt, %add3A_210, %select_n3A : i32
        %convert_element_type3A_212 = arith.extui %lt3A_211 : i1 to i32
        %cond3A_213 = arith.constant 0 : i32
        %cond3A_214 = arith.cmpi ne, %convert_element_type3A_212, %cond3A_213 : i32
        scf.if %cond3A_214 {
          %add3A_215 = arith.constant 2 : i32
          %add3A_216 = arith.addi %while3A_100, %add3A_215 : i32
          %dma_start3A_217 = arith.constant 128 : i32
          %dma_start3A_218 = arith.constant 0 : i32
          %dma_start3A_219 = tpu.memref_slice %arg9[%dma_start3A_217, %dma_start3A_218] : memref<256x128xf32, #tpu.memory_space<vmem>> -> memref<32x128xf32, #tpu.memory_space<vmem>>
          %dma_start3A_220 = arith.constant 0 : i32
          %dma_start3A_221 = tpu.memref_slice %arg7[%add3A_216, %dma_start3A_220] : memref<80x128xi32, #tpu.memory_space<vmem>> -> memref<1x32xi32, #tpu.memory_space<vmem>>
          %dma_start3A_222 = tpu.memref_squeeze %dma_start3A_221 : memref<1x32xi32, #tpu.memory_space<vmem>> -> memref<32xi32, #tpu.memory_space<vmem>>
          %dma_start3A_223 = arith.constant 0 : i32
          %dma_start3A_224 = arith.constant 0 : i32
          %dma_start3A_225 = tpu.memref_slice %arg4[%dma_start3A_223, %dma_start3A_224] : memref<10000x128xf32, #tpu.memory_space<hbm>> -> memref<10000x128xf32, #tpu.memory_space<hbm>>
          tpu.enqueue_indirect_dma source(%dma_start3A_225 : memref<10000x128xf32, #tpu.memory_space<hbm>>) target(%dma_start3A_219 : memref<32x128xf32, #tpu.memory_space<vmem>>) offsets(%dma_start3A_222 : memref<32xi32, #tpu.memory_space<vmem>>) semaphore(%arg12 : memref<!tpu.dma_semaphore, #tpu.memory_space<semaphore_mem>>)
          %dma_start3A_226 = arith.constant 160 : i32
          %dma_start3A_227 = arith.constant 0 : i32
          %dma_start3A_228 = tpu.memref_slice %arg9[%dma_start3A_226, %dma_start3A_227] : memref<256x128xf32, #tpu.memory_space<vmem>> -> memref<32x128xf32, #tpu.memory_space<vmem>>
          %dma_start3A_229 = arith.constant 32 : i32
          %dma_start3A_230 = tpu.memref_slice %arg7[%add3A_216, %dma_start3A_229] : memref<80x128xi32, #tpu.memory_space<vmem>> -> memref<1x32xi32, #tpu.memory_space<vmem>>
          %dma_start3A_231 = tpu.memref_squeeze %dma_start3A_230 : memref<1x32xi32, #tpu.memory_space<vmem>> -> memref<32xi32, #tpu.memory_space<vmem>>
          %dma_start3A_232 = arith.constant 0 : i32
          %dma_start3A_233 = arith.constant 0 : i32
          %dma_start3A_234 = tpu.memref_slice %arg4[%dma_start3A_232, %dma_start3A_233] : memref<10000x128xf32, #tpu.memory_space<hbm>> -> memref<10000x128xf32, #tpu.memory_space<hbm>>
          tpu.enqueue_indirect_dma source(%dma_start3A_234 : memref<10000x128xf32, #tpu.memory_space<hbm>>) target(%dma_start3A_228 : memref<32x128xf32, #tpu.memory_space<vmem>>) offsets(%dma_start3A_231 : memref<32xi32, #tpu.memory_space<vmem>>) semaphore(%arg12 : memref<!tpu.dma_semaphore, #tpu.memory_space<semaphore_mem>>)
          %dma_start3A_235 = arith.constant 192 : i32
          %dma_start3A_236 = arith.constant 0 : i32
          %dma_start3A_237 = tpu.memref_slice %arg9[%dma_start3A_235, %dma_start3A_236] : memref<256x128xf32, #tpu.memory_space<vmem>> -> memref<32x128xf32, #tpu.memory_space<vmem>>
          %dma_start3A_238 = arith.constant 64 : i32
          %dma_start3A_239 = tpu.memref_slice %arg7[%add3A_216, %dma_start3A_238] : memref<80x128xi32, #tpu.memory_space<vmem>> -> memref<1x32xi32, #tpu.memory_space<vmem>>
          %dma_start3A_240 = tpu.memref_squeeze %dma_start3A_239 : memref<1x32xi32, #tpu.memory_space<vmem>> -> memref<32xi32, #tpu.memory_space<vmem>>
          %dma_start3A_241 = arith.constant 0 : i32
          %dma_start3A_242 = arith.constant 0 : i32
          %dma_start3A_243 = tpu.memref_slice %arg4[%dma_start3A_241, %dma_start3A_242] : memref<10000x128xf32, #tpu.memory_space<hbm>> -> memref<10000x128xf32, #tpu.memory_space<hbm>>
          tpu.enqueue_indirect_dma source(%dma_start3A_243 : memref<10000x128xf32, #tpu.memory_space<hbm>>) target(%dma_start3A_237 : memref<32x128xf32, #tpu.memory_space<vmem>>) offsets(%dma_start3A_240 : memref<32xi32, #tpu.memory_space<vmem>>) semaphore(%arg12 : memref<!tpu.dma_semaphore, #tpu.memory_space<semaphore_mem>>)
          %dma_start3A_244 = arith.constant 224 : i32
          %dma_start3A_245 = arith.constant 0 : i32
          %dma_start3A_246 = tpu.memref_slice %arg9[%dma_start3A_244, %dma_start3A_245] : memref<256x128xf32, #tpu.memory_space<vmem>> -> memref<32x128xf32, #tpu.memory_space<vmem>>
          %dma_start3A_247 = arith.constant 96 : i32
          %dma_start3A_248 = tpu.memref_slice %arg7[%add3A_216, %dma_start3A_247] : memref<80x128xi32, #tpu.memory_space<vmem>> -> memref<1x32xi32, #tpu.memory_space<vmem>>
          %dma_start3A_249 = tpu.memref_squeeze %dma_start3A_248 : memref<1x32xi32, #tpu.memory_space<vmem>> -> memref<32xi32, #tpu.memory_space<vmem>>
          %dma_start3A_250 = arith.constant 0 : i32
          %dma_start3A_251 = arith.constant 0 : i32
          %dma_start3A_252 = tpu.memref_slice %arg4[%dma_start3A_250, %dma_start3A_251] : memref<10000x128xf32, #tpu.memory_space<hbm>> -> memref<10000x128xf32, #tpu.memory_space<hbm>>
          tpu.enqueue_indirect_dma source(%dma_start3A_252 : memref<10000x128xf32, #tpu.memory_space<hbm>>) target(%dma_start3A_246 : memref<32x128xf32, #tpu.memory_space<vmem>>) offsets(%dma_start3A_249 : memref<32xi32, #tpu.memory_space<vmem>>) semaphore(%arg12 : memref<!tpu.dma_semaphore, #tpu.memory_space<semaphore_mem>>)
        } else {
        }
      } else {
      }
    }
    %barrier3A_99 = arith.constant 0 : index
    tpu.barrier barrier_id(%barrier3A_99)
    "tpu.region"() ({
      %run_scoped3A = tpu.sem_alloc : memref<!tpu.dma_semaphore, #tpu.memory_space<semaphore_mem>>
      %dma_start3A_100 = arith.constant 0 : i32
      %dma_start3A_101 = tpu.memref_slice %arg6[%arg0, %mul3A_0, %dma_start3A_100] : memref<2x10240x128xf32, #tpu.memory_space<hbm>> -> memref<1x640x128xf32, #tpu.memory_space<hbm>>
      %dma_start3A_102 = tpu.memref_squeeze %dma_start3A_101 : memref<1x640x128xf32, #tpu.memory_space<hbm>> -> memref<640x128xf32, #tpu.memory_space<hbm>>
      %dma_start3A_103 = arith.constant 0 : i32
      %dma_start3A_104 = tpu.memref_slice %arg10[%mul3A_0, %dma_start3A_103] : memref<10240x128xf32, #tpu.memory_space<vmem_shared>> -> memref<640x128xf32, #tpu.memory_space<vmem_shared>>
      tpu.enqueue_dma source(%dma_start3A_104 : memref<640x128xf32, #tpu.memory_space<vmem_shared>>) target(%dma_start3A_102 : memref<640x128xf32, #tpu.memory_space<hbm>>) target_semaphore(%run_scoped3A : memref<!tpu.dma_semaphore, #tpu.memory_space<semaphore_mem>>)
      %dma_wait3A = arith.constant 0 : i32
      %dma_wait3A_105 = tpu.memref_slice %arg6[%arg0, %mul3A_0, %dma_wait3A] : memref<2x10240x128xf32, #tpu.memory_space<hbm>> -> memref<1x640x128xf32, #tpu.memory_space<hbm>>
      %dma_wait3A_106 = tpu.memref_squeeze %dma_wait3A_105 : memref<1x640x128xf32, #tpu.memory_space<hbm>> -> memref<640x128xf32, #tpu.memory_space<hbm>>
      %dma_wait3A_107 = arith.constant 0 : i32
      %dma_wait3A_108 = tpu.memref_slice %arg10[%mul3A_0, %dma_wait3A_107] : memref<10240x128xf32, #tpu.memory_space<vmem_shared>> -> memref<640x128xf32, #tpu.memory_space<vmem_shared>>
      tpu.wait_dma2 semaphore(%run_scoped3A : memref<!tpu.dma_semaphore, #tpu.memory_space<semaphore_mem>>) src(%dma_wait3A_108 : memref<640x128xf32, #tpu.memory_space<vmem_shared>>) dst(%dma_wait3A_106 : memref<640x128xf32, #tpu.memory_space<hbm>>)
      tpu.yield
    }) : () -> ()
    return
  }
}

module attributes {stable_mosaic.version = 14 : i64} {
  func.func @_evolve_body(%arg0: memref<128x128xf32, #tpu.memory_space<vmem>>, %arg1: memref<512x128xf32, #tpu.memory_space<vmem>>, %arg2: memref<512x128xf32, #tpu.memory_space<vmem>>, %arg3: memref<1x512xf32, #tpu.memory_space<vmem>>, %arg4: memref<128x128xf32, #tpu.memory_space<vmem>>, %arg5: memref<128x128xf32, #tpu.memory_space<vmem>>) attributes {dimension_semantics = [], scalar_prefetch = 0 : i64, scratch_operands = 0 : i64, tpu.core_type = #tpu.core_type<tc>} {
    %get3A = arith.constant 0 : index
    %get3A_0 = arith.constant 0 : index
    %get3A_1 = vector.load %arg0[%get3A, %get3A_0] : memref<128x128xf32, #tpu.memory_space<vmem>>, vector<128x128xf32>
    %get3A_2 = arith.constant 0 : index
    %get3A_3 = arith.constant 0 : index
    %get3A_4 = vector.load %arg1[%get3A_2, %get3A_3] : memref<512x128xf32, #tpu.memory_space<vmem>>, vector<512x128xf32>
    %dot_general3A = arith.constant dense<0.000000e+00> : vector<128x512xf32>
    %dot_general3A_5 = tpu.matmul %get3A_1, %get3A_4, %dot_general3A {dimension_numbers = #tpu.dot_dimension_numbers<[1], [1], [0], [0], [0, 0, 1, 0], [], []>, transpose_lhs_hint = false} : vector<128x128xf32>, vector<512x128xf32>, vector<128x512xf32> -> vector<128x512xf32>
    %get3A_6 = arith.constant 0 : index
    %get3A_7 = arith.constant 0 : index
    %get3A_8 = vector.load %arg2[%get3A_6, %get3A_7] : memref<512x128xf32, #tpu.memory_space<vmem>>, vector<512x128xf32>
    %dot_general3A_9 = arith.constant dense<0.000000e+00> : vector<128x512xf32>
    %dot_general3A_10 = tpu.matmul %get3A_1, %get3A_8, %dot_general3A_9 {dimension_numbers = #tpu.dot_dimension_numbers<[1], [1], [0], [0], [0, 0, 1, 0], [], []>, transpose_lhs_hint = false} : vector<128x128xf32>, vector<512x128xf32>, vector<128x512xf32> -> vector<128x512xf32>
    %add3A = arith.addf %dot_general3A_5, %dot_general3A_10 : vector<128x512xf32>
    %get3A_11 = arith.constant 0 : index
    %get3A_12 = arith.constant 0 : index
    %get3A_13 = vector.load %arg3[%get3A_11, %get3A_12] : memref<1x512xf32, #tpu.memory_space<vmem>>, vector<1x512xf32>
    %add3A_14 = vector.broadcast %get3A_13 : vector<1x512xf32> to vector<128x512xf32>
    %add3A_15 = arith.addf %add3A, %add3A_14 : vector<128x512xf32>
    %slice3A = vector.extract_strided_slice %add3A_15 {offsets = [0, 0], sizes = [128, 128], strides = [1, 1]} : vector<128x512xf32> to vector<128x128xf32>
    %logistic3A = arith.negf %slice3A : vector<128x128xf32>
    %logistic3A_16 = math.exp %logistic3A : vector<128x128xf32>
    %logistic3A_17 = arith.constant 1.000000e+00 : f32
    %logistic3A_18 = vector.broadcast %logistic3A_17 : f32 to vector<128x128xf32>
    %logistic3A_19 = arith.addf %logistic3A_18, %logistic3A_16 : vector<128x128xf32>
    %logistic3A_20 = arith.divf %logistic3A_18, %logistic3A_19 : vector<128x128xf32>
    %slice3A_21 = vector.extract_strided_slice %add3A_15 {offsets = [0, 128], sizes = [128, 128], strides = [1, 1]} : vector<128x512xf32> to vector<128x128xf32>
    %logistic3A_22 = arith.negf %slice3A_21 : vector<128x128xf32>
    %logistic3A_23 = math.exp %logistic3A_22 : vector<128x128xf32>
    %logistic3A_24 = arith.constant 1.000000e+00 : f32
    %logistic3A_25 = vector.broadcast %logistic3A_24 : f32 to vector<128x128xf32>
    %logistic3A_26 = arith.addf %logistic3A_25, %logistic3A_23 : vector<128x128xf32>
    %logistic3A_27 = arith.divf %logistic3A_25, %logistic3A_26 : vector<128x128xf32>
    %slice3A_28 = vector.extract_strided_slice %add3A_15 {offsets = [0, 256], sizes = [128, 128], strides = [1, 1]} : vector<128x512xf32> to vector<128x128xf32>
    %tanh3A = math.tanh %slice3A_28 : vector<128x128xf32>
    %slice3A_29 = vector.extract_strided_slice %add3A_15 {offsets = [0, 384], sizes = [128, 128], strides = [1, 1]} : vector<128x512xf32> to vector<128x128xf32>
    %logistic3A_30 = arith.negf %slice3A_29 : vector<128x128xf32>
    %logistic3A_31 = math.exp %logistic3A_30 : vector<128x128xf32>
    %logistic3A_32 = arith.constant 1.000000e+00 : f32
    %logistic3A_33 = vector.broadcast %logistic3A_32 : f32 to vector<128x128xf32>
    %logistic3A_34 = arith.addf %logistic3A_33, %logistic3A_31 : vector<128x128xf32>
    %logistic3A_35 = arith.divf %logistic3A_33, %logistic3A_34 : vector<128x128xf32>
    %mul3A = arith.mulf %logistic3A_27, %get3A_1 : vector<128x128xf32>
    %mul3A_36 = arith.mulf %logistic3A_20, %tanh3A : vector<128x128xf32>
    %add3A_37 = arith.addf %mul3A, %mul3A_36 : vector<128x128xf32>
    %tanh3A_38 = math.tanh %add3A_37 : vector<128x128xf32>
    %mul3A_39 = arith.mulf %logistic3A_35, %tanh3A_38 : vector<128x128xf32>
    %get3A_40 = arith.constant 0 : index
    %get3A_41 = arith.constant 0 : index
    %get3A_42 = vector.load %arg4[%get3A_40, %get3A_41] : memref<128x128xf32, #tpu.memory_space<vmem>>, vector<128x128xf32>
    %dot_general3A_43 = arith.constant dense<0.000000e+00> : vector<128x128xf32>
    %dot_general3A_44 = tpu.matmul %mul3A_39, %get3A_42, %dot_general3A_43 {dimension_numbers = #tpu.dot_dimension_numbers<[1], [0], [0], [1], [0, 0, 1, 1], [], []>, transpose_lhs_hint = false} : vector<128x128xf32>, vector<128x128xf32>, vector<128x128xf32> -> vector<128x128xf32>
    %swap3A = arith.constant 0 : index
    %swap3A_45 = arith.constant 0 : index
    %swap3A_46 = vector.load %arg5[%swap3A, %swap3A_45] : memref<128x128xf32, #tpu.memory_space<vmem>>, vector<128x128xf32>
    tpu.vector_store %arg5[%swap3A, %swap3A_45], %dot_general3A_44 {strides = array<i32>} : memref<128x128xf32, #tpu.memory_space<vmem>>, vector<128x128xf32>,
    return
  }
}

module attributes {stable_mosaic.version = 14 : i64} {
  func.func @_prep_body(%arg0: i32, %arg1: memref<1000x128xf32, #tpu.memory_space<vmem>>, %arg2: memref<128x128xf32, #tpu.memory_space<vmem>>, %arg3: memref<2x1000x128xf32, #tpu.memory_space<vmem>>, %arg4: memref<1000x128xf32, #tpu.memory_space<vmem>>) attributes {dimension_semantics = [#tpu.dimension_semantics<arbitrary>], iteration_bounds = array<i64: 10>, scalar_prefetch = 0 : i64, scratch_operands = 0 : i64, tpu.core_type = #tpu.core_type<tc>, window_params = [{transform_indices = @transform_0, window_bounds = array<i64: 1000, 128>}, {pipeline_mode = #tpu.pipeline_mode<synchronous>, transform_indices = @transform_1, window_bounds = array<i64: 128, 128>}, {transform_indices = @transform_2, window_bounds = array<i64: 2, 1000, 128>}, {transform_indices = @transform_3, window_bounds = array<i64: 1000, 128>}]} {
    %get3A = arith.constant 0 : index
    %get3A_0 = arith.constant 0 : index
    %get3A_1 = vector.load %arg1[%get3A, %get3A_0] : memref<1000x128xf32, #tpu.memory_space<vmem>>, vector<1000x128xf32>
    %get3A_2 = arith.constant 0 : index
    %get3A_3 = arith.constant 0 : index
    %get3A_4 = vector.load %arg2[%get3A_2, %get3A_3] : memref<128x128xf32, #tpu.memory_space<vmem>>, vector<128x128xf32>
    %dot_general3A = arith.constant dense<0.000000e+00> : vector<1000x128xf32>
    %dot_general3A_5 = tpu.matmul %get3A_1, %get3A_4, %dot_general3A {dimension_numbers = #tpu.dot_dimension_numbers<[1], [0], [0], [1], [0, 0, 1, 1], [], []>, transpose_lhs_hint = false} : vector<1000x128xf32>, vector<128x128xf32>, vector<1000x128xf32> -> vector<1000x128xf32>
    %get3A_6 = arith.constant 0 : index
    %get3A_7 = arith.constant 0 : index
    %get3A_8 = arith.constant 0 : index
    %get3A_9 = vector.load %arg3[%get3A_6, %get3A_7, %get3A_8] : memref<2x1000x128xf32, #tpu.memory_space<vmem>>, vector<1x1000x1xf32>
    %get3A_10 = vector.shape_cast %get3A_9 : vector<1x1000x1xf32> to vector<1000x1xf32>
    %get3A_11 = arith.constant 1 : index
    %get3A_12 = arith.constant 0 : index
    %get3A_13 = arith.constant 0 : index
    %get3A_14 = vector.load %arg3[%get3A_11, %get3A_12, %get3A_13] : memref<2x1000x128xf32, #tpu.memory_space<vmem>>, vector<1x1000x1xf32>
    %get3A_15 = vector.shape_cast %get3A_14 : vector<1x1000x1xf32> to vector<1000x1xf32>
    %add3A = arith.addf %get3A_10, %get3A_15 : vector<1000x1xf32>
    %add3A_16 = arith.constant 1.000000e+00 : f32
    %add3A_17 = vector.broadcast %add3A_16 : f32 to vector<1000x1xf32>
    %add3A_18 = arith.addf %add3A, %add3A_17 : vector<1000x1xf32>
    %rsqrt3A = math.rsqrt %add3A_18 : vector<1000x1xf32>
    %mul3A = vector.broadcast %rsqrt3A : vector<1000x1xf32> to vector<1000x128xf32>
    %mul3A_19 = arith.mulf %dot_general3A_5, %mul3A : vector<1000x128xf32>
    %swap3A = arith.constant 0 : index
    %swap3A_20 = arith.constant 0 : index
    %swap3A_21 = vector.load %arg4[%swap3A, %swap3A_20] : memref<1000x128xf32, #tpu.memory_space<vmem>>, vector<1000x128xf32>
    tpu.vector_store %arg4[%swap3A, %swap3A_20], %mul3A_19 {strides = array<i32>} : memref<1000x128xf32, #tpu.memory_space<vmem>>, vector<1000x128xf32>,
    return
  }
  func.func @transform_0(%arg0: i32) -> (i32, i32) {
    %c0_i32 = arith.constant 0 : i32
    %c0_i32_0 = arith.constant 0 : i32
    return %arg0, %c0_i32 : i32, i32
  }
  func.func @transform_1(%arg0: i32) -> (i32, i32) {
    %c0_i32 = arith.constant 0 : i32
    %c0_i32_0 = arith.constant 0 : i32
    %c0_i32_1 = arith.constant 0 : i32
    return %c0_i32, %c0_i32_0 : i32, i32
  }
  func.func @transform_2(%arg0: i32) -> (i32, i32, i32) {
    %c0_i32 = arith.constant 0 : i32
    %c0_i32_0 = arith.constant 0 : i32
    %c0_i32_1 = arith.constant 0 : i32
    return %c0_i32, %arg0, %c0_i32_0 : i32, i32, i32
  }
  func.func @transform_3(%arg0: i32) -> (i32, i32) {
    %c0_i32 = arith.constant 0 : i32
    %c0_i32_0 = arith.constant 0 : i32
    return %arg0, %c0_i32 : i32, i32
  }
}

module attributes {stable_mosaic.version = 14 : i64} {
  func.func @_final_body(%arg0: i32, %arg1: memref<2x1000x128xf32, #tpu.memory_space<vmem>>, %arg2: memref<1000x128xf32, #tpu.memory_space<vmem>>, %arg3: memref<2x1000x128xf32, #tpu.memory_space<vmem>>, %arg4: memref<1x128xf32, #tpu.memory_space<vmem>>, %arg5: memref<128x2xf32, #tpu.memory_space<vmem>>, %arg6: memref<1x2xf32, #tpu.memory_space<vmem>>, %arg7: memref<1000x2xf32, #tpu.memory_space<vmem>>) attributes {dimension_semantics = [#tpu.dimension_semantics<arbitrary>], iteration_bounds = array<i64: 10>, scalar_prefetch = 0 : i64, scratch_operands = 0 : i64, tpu.core_type = #tpu.core_type<tc>, window_params = [{transform_indices = @transform_0, window_bounds = array<i64: 2, 1000, 128>}, {transform_indices = @transform_1, window_bounds = array<i64: 1000, 128>}, {transform_indices = @transform_2, window_bounds = array<i64: 2, 1000, 128>}, {pipeline_mode = #tpu.pipeline_mode<synchronous>, transform_indices = @transform_3, window_bounds = array<i64: 1, 128>}, {pipeline_mode = #tpu.pipeline_mode<synchronous>, transform_indices = @transform_4, window_bounds = array<i64: 128, 2>}, {pipeline_mode = #tpu.pipeline_mode<synchronous>, transform_indices = @transform_5, window_bounds = array<i64: 1, 2>}, {transform_indices = @transform_6, window_bounds = array<i64: 1000, 2>}]} {
    %get3A = arith.constant 0 : index
    %get3A_0 = arith.constant 0 : index
    %get3A_1 = vector.load %arg2[%get3A, %get3A_0] : memref<1000x128xf32, #tpu.memory_space<vmem>>, vector<1000x128xf32>
    %get3A_2 = arith.constant 0 : index
    %get3A_3 = arith.constant 0 : index
    %get3A_4 = arith.constant 0 : index
    %get3A_5 = vector.load %arg1[%get3A_2, %get3A_3, %get3A_4] : memref<2x1000x128xf32, #tpu.memory_space<vmem>>, vector<1x1000x128xf32>
    %get3A_6 = vector.shape_cast %get3A_5 : vector<1x1000x128xf32> to vector<1000x128xf32>
    %get3A_7 = arith.constant 1 : index
    %get3A_8 = arith.constant 0 : index
    %get3A_9 = arith.constant 0 : index
    %get3A_10 = vector.load %arg1[%get3A_7, %get3A_8, %get3A_9] : memref<2x1000x128xf32, #tpu.memory_space<vmem>>, vector<1x1000x128xf32>
    %get3A_11 = vector.shape_cast %get3A_10 : vector<1x1000x128xf32> to vector<1000x128xf32>
    %add3A = arith.addf %get3A_6, %get3A_11 : vector<1000x128xf32>
    %add3A_12 = arith.addf %add3A, %get3A_1 : vector<1000x128xf32>
    %get3A_13 = arith.constant 0 : index
    %get3A_14 = arith.constant 0 : index
    %get3A_15 = arith.constant 0 : index
    %get3A_16 = vector.load %arg3[%get3A_13, %get3A_14, %get3A_15] : memref<2x1000x128xf32, #tpu.memory_space<vmem>>, vector<1x1000x1xf32>
    %get3A_17 = vector.shape_cast %get3A_16 : vector<1x1000x1xf32> to vector<1000x1xf32>
    %get3A_18 = arith.constant 1 : index
    %get3A_19 = arith.constant 0 : index
    %get3A_20 = arith.constant 0 : index
    %get3A_21 = vector.load %arg3[%get3A_18, %get3A_19, %get3A_20] : memref<2x1000x128xf32, #tpu.memory_space<vmem>>, vector<1x1000x1xf32>
    %get3A_22 = vector.shape_cast %get3A_21 : vector<1x1000x1xf32> to vector<1000x1xf32>
    %add3A_23 = arith.addf %get3A_17, %get3A_22 : vector<1000x1xf32>
    %add3A_24 = arith.constant 1.000000e+00 : f32
    %add3A_25 = vector.broadcast %add3A_24 : f32 to vector<1000x1xf32>
    %add3A_26 = arith.addf %add3A_23, %add3A_25 : vector<1000x1xf32>
    %rsqrt3A = math.rsqrt %add3A_26 : vector<1000x1xf32>
    %mul3A = vector.broadcast %rsqrt3A : vector<1000x1xf32> to vector<1000x128xf32>
    %mul3A_27 = arith.mulf %add3A_12, %mul3A : vector<1000x128xf32>
    %get3A_28 = arith.constant 0 : index
    %get3A_29 = arith.constant 0 : index
    %get3A_30 = vector.load %arg4[%get3A_28, %get3A_29] : memref<1x128xf32, #tpu.memory_space<vmem>>, vector<1x128xf32>
    %add3A_31 = vector.broadcast %get3A_30 : vector<1x128xf32> to vector<1000x128xf32>
    %add3A_32 = arith.addf %mul3A_27, %add3A_31 : vector<1000x128xf32>
    %max3A = arith.constant 0.000000e+00 : f32
    %max3A_33 = vector.broadcast %max3A : f32 to vector<1000x128xf32>
    %max3A_34 = arith.maximumf %add3A_32, %max3A_33 : vector<1000x128xf32>
    %get3A_35 = arith.constant 0 : index
    %get3A_36 = arith.constant 0 : index
    %get3A_37 = vector.load %arg5[%get3A_35, %get3A_36] : memref<128x2xf32, #tpu.memory_space<vmem>>, vector<128x2xf32>
    %dot_general3A = arith.constant dense<0.000000e+00> : vector<1000x2xf32>
    %dot_general3A_38 = tpu.matmul %max3A_34, %get3A_37, %dot_general3A {dimension_numbers = #tpu.dot_dimension_numbers<[1], [0], [0], [1], [0, 0, 1, 1], [], []>, transpose_lhs_hint = false} : vector<1000x128xf32>, vector<128x2xf32>, vector<1000x2xf32> -> vector<1000x2xf32>
    %get3A_39 = arith.constant 0 : index
    %get3A_40 = arith.constant 0 : index
    %get3A_41 = vector.load %arg6[%get3A_39, %get3A_40] : memref<1x2xf32, #tpu.memory_space<vmem>>, vector<1x2xf32>
    %add3A_42 = vector.broadcast %get3A_41 : vector<1x2xf32> to vector<1000x2xf32>
    %add3A_43 = arith.addf %dot_general3A_38, %add3A_42 : vector<1000x2xf32>
    %swap3A = arith.constant 0 : index
    %swap3A_44 = arith.constant 0 : index
    %swap3A_45 = vector.load %arg7[%swap3A, %swap3A_44] : memref<1000x2xf32, #tpu.memory_space<vmem>>, vector<1000x2xf32>
    tpu.vector_store %arg7[%swap3A, %swap3A_44], %add3A_43 {strides = array<i32>} : memref<1000x2xf32, #tpu.memory_space<vmem>>, vector<1000x2xf32>,
    return
  }
  func.func @transform_0(%arg0: i32) -> (i32, i32, i32) {
    %c0_i32 = arith.constant 0 : i32
    %c0_i32_0 = arith.constant 0 : i32
    %c0_i32_1 = arith.constant 0 : i32
    return %c0_i32, %arg0, %c0_i32_0 : i32, i32, i32
  }
  func.func @transform_1(%arg0: i32) -> (i32, i32) {
    %c0_i32 = arith.constant 0 : i32
    %c0_i32_0 = arith.constant 0 : i32
    return %arg0, %c0_i32 : i32, i32
  }
  func.func @transform_2(%arg0: i32) -> (i32, i32, i32) {
    %c0_i32 = arith.constant 0 : i32
    %c0_i32_0 = arith.constant 0 : i32
    %c0_i32_1 = arith.constant 0 : i32
    return %c0_i32, %arg0, %c0_i32_0 : i32, i32, i32
  }
  func.func @transform_3(%arg0: i32) -> (i32, i32) {
    %c0_i32 = arith.constant 0 : i32
    %c0_i32_0 = arith.constant 0 : i32
    %c0_i32_1 = arith.constant 0 : i32
    return %c0_i32, %c0_i32_0 : i32, i32
  }
  func.func @transform_4(%arg0: i32) -> (i32, i32) {
    %c0_i32 = arith.constant 0 : i32
    %c0_i32_0 = arith.constant 0 : i32
    %c0_i32_1 = arith.constant 0 : i32
    return %c0_i32, %c0_i32_0 : i32, i32
  }
  func.func @transform_5(%arg0: i32) -> (i32, i32) {
    %c0_i32 = arith.constant 0 : i32
    %c0_i32_0 = arith.constant 0 : i32
    %c0_i32_1 = arith.constant 0 : i32
    return %c0_i32, %c0_i32_0 : i32, i32
  }
  func.func @transform_6(%arg0: i32) -> (i32, i32) {
    %c0_i32 = arith.constant 0 : i32
    %c0_i32_0 = arith.constant 0 : i32
    return %arg0, %c0_i32 : i32, i32
  }
}

</mosaic_0001>

<sc_bundles>
// kernel: kernel.10.cloned.1.call-start
scs
__scs_entry_jumppad:
0x0: {  	(pc) =	sbr.rel $0x88, $3  }
0x1: {  	(tag) =	ssettag $0x0;
	lr =	simm.s32 $0x1  }
0x2: {  	[smem:$0x3F96] =	sst lr;
	_ =	strace $0xD0000000  }
0x3: {  	_ = 	snop  }
0x4: {  	_ = 	snop  }
0x5: {  	_ = 	snop  }
0x6: {  	_ = 	snop  }
0x7: {  	_ = 	snop  }
__scs_overlays_trampoline_lowered:
0x8: {  	[smem:$0x3FA5] =	sst s0  }
0x9: {  	[smem:$0x3FA6] =	sst s1  }
0xa: {  	[smem:$0x3FA7] =	sst s2  }
0xb: {  	[smem:$0x3FA8] =	sst s3  }
0xc: {  	[smem:$0x3FA9] =	sst s4  }
0xd: {  	[smem:$0x3FAA] =	sst s5  }
0xe: {  	[smem:$0x3FAB] =	sst s6  }
0xf: {  	[smem:$0x3FAC] =	sst s7  }
0x10: {  	[smem:$0x3FAD] =	sst s8  }
0x11: {  	[smem:$0x3FAE] =	sst s9;
	s0 =	simm.s32 @!p0 $0x0  }
0x12: {  	s1 =	sld [smem:$0x3F94];
	s0 =	simm.s32 @p0 $0x1  }
0x13: {  	[smem:$0x3FAF] =	sst s0;
	s0 =	simm.s32 @!p1 $0x0  }
0x14: {  	s2 =	sld [smem:$0x3F93];
	s0 =	simm.s32 @p1 $0x1  }
0x15: {  	[smem:$0x3FB0] =	sst s0;
	s0 =	simm.s32 @!p2 $0x0  }
0x16: {  	s3 =	sld [smem:$0x3FDB];
	s0 =	simm.s32 @p2 $0x1  }
0x17: {  	s4 =	simm.s32 $0x1BF5;
	[smem:$0x3FB2] =	sst s0  }
0x18: {  	s0 =	sld [smem:$0x3F95];
	_ =	swait.ge [sflag:s4], $0x0  }
0x19: {  	s7 =	sld [smem:$0x3F96]  }
0x1a: {  	s8 =	sadd.s32 $0xFFFFE003, lr  }
0x1b: {  	s9 =	sadd.s32 $0xFFFFFEF7, lr;
	s5 =	simm.s32 $0xFFFFFFFF;
	p2 =	slt.u32 s8, $0xFFFFF086  }
0x1c: {  	p1 =	slt.u32 s9, $0xF7A;
	s5 =	simm.s32 @!p2 $0x0  }
0x1d: {  	s5 =	simm.s32 @p1 $0x1;
	p0 =	seq.s32 s7, s2  }
0x1e: {  	s7 =	smul.u32 @!p0 $0xF7A, s2;
	p2 =	seq.s32 @!p0 s5, $0x0  }
0x1f: {  	s9 =	smul.u32 $0xF7A, s1;
	s8 =	simm.s32 @!p0 $0x1BF5;
	p2 =	por !p2, p0  }
0x20: {  	[sflag:s8] =	ssyncset.s32 @!p0 $0xFFFFF086;
	s6 =	sadd.s32 @!p0 s3, s7;
	s7 =	simm.s32 @!p0 $0x108  }
0x21: {  	s3 =	sadd.s32 s3, s9;
	s6 =	sadd.s32 @!p0 $0x88, s6;
	s7 =	simm.s32 @p2 $0x1082  }
0x22: {  	[simem:s7], [sflag:s8] =	dma.local @!p0 [hbm:s6], $0xF7A  }
0x23: {  	s9 =	sor.u32 $0xD0000000, s2;
	s6 =	simm.s32 $0x108;
	_ =	swait.ge @!p0 [sflag:s8], $0x0  }
0x24: {  	s3 =	sadd.s32 $0x88, s3;
	s6 =	simm.s32 @!p1 $0x1082;
	[sflag:s4] =	ssyncset.s32 $0xFFFFF086  }
0x25: {  	[simem:s6], [sflag:s4] =	dma.local [hbm:s3], $0xF7A  }
0x26: {  	[smem:$0x3F96] =	sst s1;
	(tag) =	ssettag s2;
	_ =	strace s9  }
0x27: {  	s1 =	sld [smem:$0x3FA6]  }
0x28: {  	s2 =	sld [smem:$0x3FA7]  }
0x29: {  	s4 =	sld [smem:$0x3FA9]  }
0x2a: {  	p0 =	seq.s32 s5, $0x0;
	s5 =	sld [smem:$0x3FAA]  }
0x2b: {  	s6 =	sld [smem:$0x3FAB]  }
0x2c: {  	s7 =	sld [smem:$0x3FAC]  }
0x2d: {  	s3 =	simm.s32 $0x108;
	s8 =	sld [smem:$0x3FAD]  }
0x2e: {  	s3 =	simm.s32 @!p0 $0x1082;
	s9 =	sld [smem:$0x3FAE]  }
0x2f: {  	lr =	sadd.s32 s0, s3;
	s0 =	sld [smem:$0x3FA5]  }
0x30: {  	s3 =	sld [smem:$0x3FA8]  }
0x31: {  	[smem:$0x3FB1] =	sst s10  }
0x32: {  	s10 =	sld [smem:$0x3FAF];
	_ =	sdelay $0x3  }
0x33: {  	p0 =	seq.s32 s10, $0x1;
	s10 =	sld [smem:$0x3FB1];
	_ =	sdelay $0x3  }
0x34: {  	[smem:$0x3FB1] =	sst s10  }
0x35: {  	s10 =	sld [smem:$0x3FB0];
	_ =	sdelay $0x3  }
0x36: {  	p1 =	seq.s32 s10, $0x1;
	s10 =	sld [smem:$0x3FB1];
	_ =	sdelay $0x3  }
0x37: {  	[smem:$0x3FB1] =	sst s10  }
0x38: {  	s10 =	sld [smem:$0x3FB2]  }
0x39: {  	_ = 	snop;
	(pc) =	sbr.ind lr, $3  }
0x3a: {  	_ = 	snop  }
0x3b: {  	_ = 	snop  }
0x3c: {  	p2 =	seq.s32 s10, $0x1;
	s10 =	sld [smem:$0x3FB1]  }
0x3d: {  	_ =	shalt  }
0x3e: {  	_ =	shalt  }
0x3f: {  	_ =	shalt  }
0x40: {  	_ =	shalt  }
0x41: {  	_ =	shalt  }
0x42: {  	_ =	shalt  }
0x43: {  	_ =	shalt  }
0x44: {  	_ =	shalt  }
0x45: {  	_ =	shalt  }
0x46: {  	_ =	shalt  }
0x47: {  	_ =	shalt  }
0x48: {  	_ =	shalt  }
0x49: {  	_ =	shalt  }
0x4a: {  	_ =	shalt  }
0x4b: {  	_ =	shalt  }
0x4c: {  	_ =	shalt  }
0x4d: {  	_ =	shalt  }
0x4e: {  	_ =	shalt  }
0x4f: {  	_ =	shalt  }
0x50: {  	_ =	shalt  }
0x51: {  	_ =	shalt  }
0x52: {  	_ =	shalt  }
0x53: {  	_ =	shalt  }
0x54: {  	_ =	shalt  }
0x55: {  	_ =	shalt  }
0x56: {  	_ =	shalt  }
0x57: {  	_ =	shalt  }
0x58: {  	_ =	shalt  }
0x59: {  	_ =	shalt  }
0x5a: {  	_ =	shalt  }
0x5b: {  	_ =	shalt  }
0x5c: {  	_ =	shalt  }
0x5d: {  	_ =	shalt  }
0x5e: {  	_ =	shalt  }
0x5f: {  	_ =	shalt  }
0x60: {  	_ =	shalt  }
0x61: {  	_ =	shalt  }
0x62: {  	_ =	shalt  }
0x63: {  	_ =	shalt  }
0x64: {  	_ =	shalt  }
0x65: {  	_ =	shalt  }
0x66: {  	_ =	shalt  }
0x67: {  	_ =	shalt  }
0x68: {  	_ =	shalt  }
0x69: {  	_ =	shalt  }
0x6a: {  	_ =	shalt  }
0x6b: {  	_ =	shalt  }
0x6c: {  	_ =	shalt  }
0x6d: {  	_ =	shalt  }
0x6e: {  	_ =	shalt  }
0x6f: {  	_ =	shalt  }
0x70: {  	_ =	shalt  }
0x71: {  	_ =	shalt  }
0x72: {  	_ =	shalt  }
0x73: {  	_ =	shalt  }
0x74: {  	_ =	shalt  }
0x75: {  	_ =	shalt  }
0x76: {  	_ =	shalt  }
0x77: {  	_ =	shalt  }
0x78: {  	_ =	shalt  }
0x79: {  	_ =	shalt  }
0x7a: {  	_ =	shalt  }
0x7b: {  	_ =	shalt  }
0x7c: {  	_ =	shalt  }
0x7d: {  	_ =	shalt  }
0x7e: {  	_ =	shalt  }
0x7f: {  	_ =	shalt  }
0x80: {  	_ =	shalt  }
0x81: {  	_ =	shalt  }
0x82: {  	_ =	shalt  }
0x83: {  	_ =	shalt  }
0x84: {  	_ =	shalt  }
0x85: {  	_ =	shalt  }
0x86: {  	_ =	shalt  }
0x87: {  	_ =	shalt  }
.Lfunc_end0:
.L_simem_size_0:
called_computation.1_lowered:
.L_overlay_start_0:
0x88: {  	s2 =	sld [smem:$0x3FD9]  }
0x89: {  	s3 =	sld [smem:$0x3FFE];
	_ =	sdelay $0x1  }
0x8a: {  	s1 =	srdreg.scid  }
0x8b: {  	s0 =	sand.u32 $0x1, s1  }
0x8c: {  	s16 =	sshll.u32 s0, $0xA;
	s2 =	sadd.s32 s3, s2  }
0x8d: {  	s2 =	sadd.s32 s2, s16  }
0x8e: {  	[smem:$0x3FBD] =	sst s2  }
0x8f: {  	_ = 	snop  }
0x90: {  	(tm) =	ssettm $0x1  }
0x91: {  	s17 =	sld [smem:$0x3FFB];
	_ =	sdelay $0x3  }
0x92: {  	_ =	strace s17  }
0x93: {  	s2 =	sld [smem:$0x3FFC];
	_ =	sdelay $0x3  }
0x94: {  	_ =	strace s2  }
0x95: {  	s2 =	sld [smem:$0x3FFD];
	_ =	sdelay $0x3  }
0x96: {  	_ =	strace s2  }
0x97: {  	_ =	strace $0x8FFFFFFF  }
0x98: {  	s18 =	sld [smem:$0x3FDB];
	_ =	sdelay $0x1  }
0x99: {  	s19 =	simm.s32 $_scs_section_size  }
0x9a: {  	s4 =	simm.s32 $_size__tile_overlayer_lowered;
	s5 =	simm.s32 $_tile_overlayer_lowered  }
0x9b: {  	s22 =	simm.s32 $0x1BFF;
	s21 =	sshll.u32 s5, $0x1;
	s2 =	sadd.s32 s19, s18  }
0x9c: {  	s6 =	simm.s32 $0x0;
	s20 =	sshll.u32 s4, $0x1;
	s4 =	sadd.s32 s21, s2  }
0x9d: {  	[timem:s6], [sflag:s22] =	dma.local [hbm:s4], s20  }
0x9e: {  	_ =	swait.ge [sflag:s22], s20  }
0x9f: {  	s3 =	ssub.s32 $0x0, s20;
	[sflag:s22] =	ssyncset.done $0x0  }
0xa0: {  	[sflag:s22] =	ssyncadd.s32 s3;
	_ =	sdelay $0x1  }
0xa1: {  	s23 =	simm.s32 $0x1B8B  }
0xa2: {  	_ =	swait.ge [sflag:s23], $0x1  }
0xa3: {  	[sflag:s23] =	ssyncset.done $0x0  }
0xa4: {  	s25 =	simm.s32 $0x1B8E;
	s24 =	sld [smem:$0x3FFE];
	[sflag:s23] =	ssyncadd.s32 $0xFFFFFFFF  }
0xa5: {  	s26 =	simm.s32 $execute0_lowered;
	[smem:$0x3FD2] =	sst s25  }
0xa6: {  	s4 =	sshll.u32 s26, $0x1;
	_ =	strace $0x80000049;
	[dreg:$0x1] =	wrdreg $0xFFFFFFFF  }
0xa7: {  	s28 =	simm.s32 $_size_execute0_lowered;
	s2 =	sadd.s32 s2, s4;
	[dreg:$0x0] =	wrdreg $0x0  }
0xa8: {  	s4 =	sshll.u32 s28, $0x1;
	[dreg:$0x2] =	wrdreg s2  }
0xa9: {  	[dreg:$0x3] =	wrdreg s4  }
0xaa: {  	[dreg:$0x4] =	wrdreg $0xC0  }
0xab: {  	_ =	task [dreg:s6], $0x5FFFF  }
0xac: {  	[dreg:$0x1] =	wrdreg $0xFFFFFFFF  }
0xad: {  	[dreg:$0x0] =	wrdreg $0x60  }
0xae: {  	[dreg:$0x2] =	wrdreg s24  }
0xaf: {  	[dreg:$0x3] =	wrdreg $0xAC000  }
0xb0: {  	[dreg:$0x4] =	wrdreg $0x9  }
0xb1: {  	_ =	task.clear_ibuf [dreg:s6], $0x5FFFF;
	_ =	strace $0x90000049  }
0xb2: {  	s29 =	simm.s32 $0x9;
	_ =	strace $0x8000004B  }
0xb3: {  	_ =	swait.ge [sflag:s29], $0x1  }
0xb4: {  	[sflag:s29] =	ssyncadd.s32 $0xFFFFFFFF  }
0xb5: {  	_ =	strace $0x9000004B  }
0xb6: {  	_ =	sfence  }
0xb7: {  	s30 =	sld [smem:$0x0];
	_ =	sdelay $0x2  }
0xb8: {  	s31 =	sshll.u32 s1, $0xD;
	s1 =	sshrl.u32 s1, $0x2  }
0xb9: {  	s3 =	sand.u32 $0x4000, s31;
	s1 =	sadd.s32 s1, s30  }
0xba: {  	s0 =	sor.u32 s3, s0;
	s1 =	sshll.u32 s1, $0x11  }
0xbb: {  	s0 =	sor.u32 s1, s0  }
0xbc: {  	s0 =	sadd.s32 $0x8F2B, s0  }
0xbd: {  	[sflag:s0] =	ssyncadd.remote.s32 $0x1  }
0xbe: {  	_ =	sfence.sel $0xFFFF  }
0xbf: {  	[dreg:$0x0] =	wrdreg $0xFFFFFFFF;
	(pc) =	sbr.abs _section_cstart, $3  }
0xc0: {  	[dreg:$0x1] =	wrdreg $0xFFFFFFFF  }
0xc1: {  	_ =	task.clear_ibuf [dreg:s6], $0x2FFFF;
	_ =	strace $0x9FFFFFFF  }
0xc2: {  	(tm) =	ssettm $0x7FFFFFFF  }
0xc3: {  	_ =	shalt  }
tec
execute0_lowered:
.L_overlay_start_1:
0x0: {  	(tag) =	ssettag $0x1  }
0x1: {  	s0 =	rddreg [dreg:$0x0]  }
0x2: {  	s2 =	rddreg [dreg:$0x1]  }
0x3: {  	s11 =	stileid.u32;
	s3 =	simm.s32 $0x0;
	s1 =	srdreg.scid  }
0x4: {  	s13 =	simm.s32 $0x3;
	s14 =	simm.s32 $0x20;
	s15 =	simm.s32 $0x2C00  }
0x5: {  	s21 =	simm.s32 $0x80;
	s22 =	simm.s32 $0x6C00;
	s23 =	simm.s32 $0xA0  }
0x6: {  	s24 =	simm.s32 $0x7C00;
	s25 =	simm.s32 $0xC0;
	s28 =	simm.s32 $0xE0  }
0x7: {  	s29 =	simm.s32 $0x9C00;
	s30 =	simm.s32 $0x2;
	s4 =	smul.u32 $0x50, s11  }
0x8: {  	s31 =	simm.s32 $0x1;
	[smem:$0x7FF] =	sst s3;
	s6 =	smul.u32 $0x14000, s11  }
0x9: {  	s1 =	sand.u32 $0x1, s1;
	s10 =	smul.u32 $0x50000, s11;
	s11 =	sshll.u32 s11, $0x6  }
0xa: {  	p0 =	seq.s32 s1, $0x0;
	s5 =	smul.u32 $0x140000, s1;
	s1 =	ssub.s32 $0x2, s1  }
0xb: {  	_ =	strace $0x8000004A;
	s9 =	sadd.s32 $0x500, s4;
	s26 =	sshrl.u32 s1, $0x1  }
0xc: {  	s10 =	sshrl.u32 s10, $0x2;
	s9 =	smov.u32 @p0 s4;
	s6 =	sadd.s32 s6, s5  }
0xd: {  	s5 =	sadd.s32 $0x73200, s0;
	s1 =	ssub.s32 s1, s26;
	s12 =	sadd.s32 s10, s2  }
.Ltmp0:
0xe: {  	s26 =	simm.s32 $0x8C00;
	s4 =	sshll.u32 s9, $0x4;
	(pc) =	sbr.rel .LBB2_1-.Ltmp0, $4  }
0xf: {  	s7 =	sshrl.u32 s6, $0x3;
	s6 =	sadd.s32 $0x16A00, s0;
	s9 =	sshrl.u32 s9, $0x3  }
0x10: {  	s12 =	sshrl.u32 s12, $0x3;
	s8 =	sadd.s32 s4, s0;
	s4 =	sadd.s32 $0xCA00, s0  }
0x11: {  	s0 =	sadd.s32 s7, s0;
	s7 =	sor.u32 $0x1C03, s11;
	s11 =	smax.u32 s1, $0x1  }
0x12: {  	s8 =	sadd.s32 $0x69200, s8;
	s10 =	sadd.s32 $0x9A400, s0;
	s0 =	simm.s32 $0x0  }
.LBB2_6:
0x13: {  	s0 =	sadd.s32 $0x1, s0  }
0x14: {  	p0 =	sne.s32 s0, s11  }
.Ltmp1:
0x15: {  	[bflag:$0x0] =	sbarrier.arrive $0xFFFF;
	(pc) =	sbr.rel @!p0 .LBB2_7-.Ltmp1, $4  }
0x16: {  	[hbm:s10], [sflag:s7] =	dma.local [spmem:s12], $0x2800  }
0x17: {  	_ =	swait.ge [sflag:s13], $0x2800  }
0x18: {  	[sflag:s13] =	ssyncset.done $0x0  }
0x19: {  	[sflag:s13] =	ssyncadd.s32 $0xFFFFD800  }
.LBB2_1:
0x1a: {  	[spmem:s12], [sflag:s7] =	dma.local [hbm:s6], $0x2800  }
0x1b: {  	_ =	swait.ge [sflag:s13], $0x2800  }
0x1c: {  	[sflag:s13] =	ssyncset.done $0x0  }
0x1d: {  	[sflag:s13] =	ssyncadd.s32 $0xFFFFD800  }
0x1e: {  	[tilespmem:s3], [sflag:$0x3] =	stream.linear.gather [hbm4b:s8+s3], $0x2800, $0x38;
	[tilespmem:$0x1EC00] =	vst v63  }
0x1f: {  	_ =	swait.ge [sflag:s13], $0x2800  }
0x20: {  	[sflag:s13] =	ssyncset.done $0x0  }
0x21: {  	[sflag:s13] =	ssyncadd.s32 $0xFFFFD800  }
0x22: {  	[bflag:$0x0] =	sbarrier.arrive $0xFFFF  }
0x23: {  	[tilespmem:s15], [sflag:$0x1] =	stream.indirect.gather [hbm4b:s5+s14], $0x80, s3, s14, $0xb8;
	[tilespmem:$0x1EC00] =	vst v63  }
0x24: {  	s1 =	simm.s32 $0x3C00  }
0x25: {  	[tilespmem:s1], [sflag:$0x1] =	stream.indirect.gather [hbm4b:s5+s14], $0x80, s14, s14, $0xb8;
	[tilespmem:$0x1EC00] =	vst v63  }
0x26: {  	s18 =	simm.s32 $0x40;
	s16 =	simm.s32 $0x4C00  }
0x27: {  	[tilespmem:s16], [sflag:$0x1] =	stream.indirect.gather [hbm4b:s5+s14], $0x80, s18, s14, $0xb8;
	[tilespmem:$0x1EC00] =	vst v63  }
0x28: {  	s19 =	simm.s32 $0x60;
	s20 =	simm.s32 $0x5C00  }
0x29: {  	[tilespmem:s20], [sflag:$0x1] =	stream.indirect.gather [hbm4b:s5+s14], $0x80, s19, s14, $0xb8;
	[tilespmem:$0x1EC00] =	vst v63  }
0x2a: {  	_ = 	snop  }
0x2b: {  	[tilespmem:s22], [sflag:$0x2] =	stream.indirect.gather [hbm4b:s5+s14], $0x80, s21, s14, $0xb8;
	[tilespmem:$0x1EC00] =	vst v63  }
0x2c: {  	_ = 	snop  }
0x2d: {  	[tilespmem:s24], [sflag:$0x2] =	stream.indirect.gather [hbm4b:s5+s14], $0x80, s23, s14, $0xb8;
	[tilespmem:$0x1EC00] =	vst v63  }
.Ltmp2:
0x2e: {  	_ = 	snop;
	(pc) =	sbr.rel .LBB2_2-.Ltmp2, $4  }
0x2f: {  	_ = 	snop  }
0x30: {  	[tilespmem:s26], [sflag:$0x2] =	stream.indirect.gather [hbm4b:s5+s14], $0x80, s25, s14, $0xb8;
	[tilespmem:$0x1EC00] =	vst v63  }
0x31: {  	s1 =	simm.s32 $0x160;
	s16 =	simm.s32 $0x0  }
0x32: {  	[tilespmem:s29], [sflag:$0x2] =	stream.indirect.gather [hbm4b:s5+s14], $0x80, s28, s14, $0xb8;
	[tilespmem:$0x1EC00] =	vst v63  }
.LBB2_4:
0x33: {  	_ =	swait.ge [sflag:s30], $0x1000  }
0x34: {  	[sflag:s30] =	ssyncset.done $0x0  }
0x35: {  	[sflag:s30] =	ssyncadd.s32 $0xFFFFF000  }
0x36: {  	_ =	swait.ge [sflag:s30], $0x1000  }
0x37: {  	[sflag:s30] =	ssyncset.done $0x0  }
0x38: {  	[sflag:s30] =	ssyncadd.s32 $0xFFFFF000  }
0x39: {  	_ =	swait.ge [sflag:s30], $0x1000  }
0x3a: {  	[sflag:s30] =	ssyncset.done $0x0  }
0x3b: {  	[sflag:s30] =	ssyncadd.s32 $0xFFFFF000  }
0x3c: {  	_ =	swait.ge [sflag:s30], $0x1000  }
0x3d: {  	s17 =	sshrl.u32 s17, $0x2;
	[sflag:s30] =	ssyncset.done $0x0  }
0x3e: {  	s17 =	sor.u32 $0x2800, s17;
	[sflag:s30] =	ssyncadd.s32 $0xFFFFF000  }
0x3f: {  	[spmem:s2] =	stream.indirect.scatter.add.f32 [tilespmem:s22], [sflag:$0x3], $0x80, s17, s21, $0xb8;
	[tilespmem:$0x1EC00] =	vst v63  }
0x40: {  	p0 =	sgt.u32 s16, $0x4D;
	_ =	swait.ge [sflag:s13], $0x4000  }
0x41: {  	s18 =	simm.s32 @!p0 $0x20;
	[sflag:s13] =	ssyncset.done $0x0  }
0x42: {  	s19 =	simm.s32 @!p0 $0x6C00;
	s17 =	sadd.s32 @!p0 $0xFFFFFFA0, s1;
	[sflag:s13] =	ssyncadd.s32 $0xFFFFC000  }
0x43: {  	[tilespmem:s19], [sflag:$0x2] =	stream.indirect.gather @!p0 [hbm4b:s5+s18], $0x80, s17, s18, $0xb8;
	[tilespmem:$0x1EC00] =	vst v63  }
0x44: {  	s17 =	sadd.s32 @!p0 $0xFFFFFFC0, s1;
	s19 =	simm.s32 @!p0 $0x7C00  }
0x45: {  	[tilespmem:s19], [sflag:$0x2] =	stream.indirect.gather @!p0 [hbm4b:s5+s18], $0x80, s17, s18, $0xb8;
	[tilespmem:$0x1EC00] =	vst v63  }
0x46: {  	s17 =	sadd.s32 @!p0 $0xFFFFFFE0, s1;
	s19 =	simm.s32 @!p0 $0x8C00  }
0x47: {  	[tilespmem:s19], [sflag:$0x2] =	stream.indirect.gather @!p0 [hbm4b:s5+s18], $0x80, s17, s18, $0xb8;
	[tilespmem:$0x1EC00] =	vst v63  }
0x48: {  	s17 =	simm.s32 @!p0 $0x9C00  }
0x49: {  	[tilespmem:s17], [sflag:$0x2] =	stream.indirect.gather @!p0 [hbm4b:s5+s18], $0x80, s1, s18, $0xb8;
	[tilespmem:$0x1EC00] =	vst v63  }
.LBB2_5:
0x4a: {  	s16 =	sadd.s32 $0x1, s16  }
0x4b: {  	p0 =	sne.s32 s16, $0x50  }
.Ltmp3:
0x4c: {  	_ = 	snop;
	(pc) =	sbr.rel @!p0 .LBB2_6-.Ltmp3, $2  }
0x4d: {  	_ =	sdelay $0x2  }
0x4e: {  	s1 =	sadd.s32 $0x80, s1  }
.LBB2_2:
0x4f: {  	s17 =	sand.u32 $0x7, s16  }
0x50: {  	p1 =	sne.s32 s17, $0x0  }
0x51: {  	s18 =	sshrl.u32 @!p1 s16, $0x3  }
0x52: {  	s18 =	sadd.s32 @!p1 s9, s18  }
0x53: {  	s18 =	sshll.u32 @!p1 s18, $0x7  }
0x54: {  	s18 =	sand.u32 @!p1 $0x1FFFFF80, s18  }
0x55: {  	s19 =	simm.s32 @!p1 $0x0;
	s20 =	simm.s32 @!p1 $0x2800;
	s18 =	sadd.s32 @!p1 s4, s18  }
0x56: {  	[tilespmem:s20], [sflag:$0x3] =	stream.linear.gather @!p1 [hbm4b:s18+s19], $0x400, $0x38;
	[tilespmem:$0x1EC00] =	vst v63  }
0x57: {  	s20 =	sand.u32 $0x1, s16  }
0x58: {  	p0 =	seq.s32 s20, $0x0  }
.Ltmp4:
0x59: {  	_ = 	snop;
	(pc) =	sbr.rel @!p0 .LBB2_4-.Ltmp4, $4  }
0x5a: {  	s18 =	simm.s32 @!p1 $0x3  }
0x5b: {  	_ =	swait.ge @!p1 [sflag:s18], $0x400  }
0x5c: {  	[sflag:s18] =	ssyncset.done @!p1 $0x0  }
0x5d: {  	s17 =	sshll.u32 s17, $0x9;
	[sflag:s18] =	ssyncadd.s32 @!p1 $0xFFFFFC00  }
0x5e: {  	_ =	swait.ge [sflag:s31], $0x1000  }
0x5f: {  	[sflag:s31] =	ssyncset.done $0x0  }
0x60: {  	[sflag:s31] =	ssyncadd.s32 $0xFFFFF000  }
0x61: {  	_ =	swait.ge [sflag:s31], $0x1000  }
0x62: {  	[sflag:s31] =	ssyncset.done $0x0  }
0x63: {  	[sflag:s31] =	ssyncadd.s32 $0xFFFFF000  }
0x64: {  	_ =	swait.ge [sflag:s31], $0x1000  }
0x65: {  	[sflag:s31] =	ssyncset.done $0x0  }
0x66: {  	[sflag:s31] =	ssyncadd.s32 $0xFFFFF000  }
0x67: {  	_ =	swait.ge [sflag:s31], $0x1000  }
0x68: {  	s18 =	sshrl.u32 s17, $0x2;
	[sflag:s31] =	ssyncset.done $0x0  }
0x69: {  	s18 =	sor.u32 $0x2800, s18;
	[sflag:s31] =	ssyncadd.s32 $0xFFFFF000  }
0x6a: {  	[spmem:s2] =	stream.indirect.scatter.add.f32 [tilespmem:s15], [sflag:$0x3], $0x80, s18, s21, $0xb8;
	[tilespmem:$0x1EC00] =	vst v63  }
0x6b: {  	p1 =	sgt.u32 s16, $0x4D;
	_ =	swait.ge [sflag:s13], $0x4000  }
0x6c: {  	s19 =	simm.s32 @!p1 $0x20;
	[sflag:s13] =	ssyncset.done $0x0  }
0x6d: {  	s20 =	simm.s32 @!p1 $0x2C00;
	s18 =	sadd.s32 @!p1 $0xFFFFFFA0, s1;
	[sflag:s13] =	ssyncadd.s32 $0xFFFFC000  }
0x6e: {  	[tilespmem:s20], [sflag:$0x1] =	stream.indirect.gather @!p1 [hbm4b:s5+s19], $0x80, s18, s19, $0xb8;
	[tilespmem:$0x1EC00] =	vst v63  }
0x6f: {  	s18 =	sadd.s32 @!p1 $0xFFFFFFC0, s1;
	s20 =	simm.s32 @!p1 $0x3C00  }
0x70: {  	[tilespmem:s20], [sflag:$0x1] =	stream.indirect.gather @!p1 [hbm4b:s5+s19], $0x80, s18, s19, $0xb8;
	[tilespmem:$0x1EC00] =	vst v63  }
.Ltmp5:
0x71: {  	_ = 	snop;
	(pc) =	sbr.rel @p0 .LBB2_5-.Ltmp5, $4  }
.Ltmp6:
0x72: {  	s18 =	sadd.s32 @!p1 $0xFFFFFFE0, s1;
	s20 =	simm.s32 @!p1 $0x4C00;
	(pc) =	sbr.rel @!p0 .LBB2_4-.Ltmp6, $4  }
0x73: {  	[tilespmem:s20], [sflag:$0x1] =	stream.indirect.gather @!p1 [hbm4b:s5+s19], $0x80, s18, s19, $0xb8;
	[tilespmem:$0x1EC00] =	vst v63  }
0x74: {  	s18 =	simm.s32 @!p1 $0x5C00  }
0x75: {  	[tilespmem:s18], [sflag:$0x1] =	stream.indirect.gather @!p1 [hbm4b:s5+s19], $0x80, s1, s19, $0xb8;
	[tilespmem:$0x1EC00] =	vst v63  }
0x76: {  	_ = 	snop  }
.LBB2_7:
0x77: {  	_ =	sfence.sel $0x180000  }
0x78: {  	[bflag:$0x0] =	sbarrier.arrive $0xFFFF  }
0x79: {  	_ =	strace $0x9000004A  }
0x7a: {  	s0 =	stileid.u32;
	[bflag:$0x2] =	sbarrier.arrive $0xFFFF  }
0x7b: {  	p0 =	sne.s32 s0, $0x0;
	s0 =	rddreg [dreg:$0x2]  }
0x7c: {  	s0 =	sadd.s32 @!p0 $0x100000, s0  }
0x7d: {  	[sflag:s0] =	ssyncadd.tile.s32 @!p0 $0x1;
	_ =	shalt  }
.Lfunc_end2:
_tile_overlayer_lowered:
.L_overlay_start_2:
0x7e: {  	(tag) =	ssettag $0x2  }
0x7f: {  	s0 =	rddreg [dreg:$0x0];
	s2 =	stileid.u32  }
0x80: {  	s1 =	rddreg [dreg:$0x1];
	p0 =	sne.s32 s2, $0x0  }
0x81: {  	s3 =	rddreg [dreg:$0x2];
	[bflag:$0x3] =	sbarrier.arrive $0xFFFF;
	s2 =	simm.s32 @!p0 $0x1C03  }
0x82: {  	[timem:s3], [sflag:s2] =	dma.local @!p0 [hbm:s0], s1  }
0x83: {  	s0 =	simm.s32 @!p0 $0x3  }
0x84: {  	_ =	swait.ge @!p0 [sflag:s0], s1  }
0x85: {  	s1 =	ssub.s32 @!p0 $0x0, s1;
	[sflag:s0] =	ssyncset.done @!p0 $0x0  }
0x86: {  	[sflag:s0] =	ssyncadd.s32 @!p0 s1  }
0x87: {  	[bflag:$0x3] =	sbarrier.arrive $0xFFFF  }
0x88: {  	_ =	shalt  }

// kernel: kernel.7.cloned.1.call-start
scs
__scs_entry_jumppad:
0x0: {  	(pc) =	sbr.rel $0x88, $3  }
0x1: {  	(tag) =	ssettag $0x0;
	lr =	simm.s32 $0x1  }
0x2: {  	[smem:$0x3F96] =	sst lr;
	_ =	strace $0xD0000000  }
0x3: {  	_ = 	snop  }
0x4: {  	_ = 	snop  }
0x5: {  	_ = 	snop  }
0x6: {  	_ = 	snop  }
0x7: {  	_ = 	snop  }
__scs_overlays_trampoline_lowered:
0x8: {  	[smem:$0x3FA5] =	sst s0  }
0x9: {  	[smem:$0x3FA6] =	sst s1  }
0xa: {  	[smem:$0x3FA7] =	sst s2  }
0xb: {  	[smem:$0x3FA8] =	sst s3  }
0xc: {  	[smem:$0x3FA9] =	sst s4  }
0xd: {  	[smem:$0x3FAA] =	sst s5  }
0xe: {  	[smem:$0x3FAB] =	sst s6  }
0xf: {  	[smem:$0x3FAC] =	sst s7  }
0x10: {  	[smem:$0x3FAD] =	sst s8  }
0x11: {  	[smem:$0x3FAE] =	sst s9;
	s0 =	simm.s32 @!p0 $0x0  }
0x12: {  	s1 =	sld [smem:$0x3F94];
	s0 =	simm.s32 @p0 $0x1  }
0x13: {  	[smem:$0x3FAF] =	sst s0;
	s0 =	simm.s32 @!p1 $0x0  }
0x14: {  	s2 =	sld [smem:$0x3F93];
	s0 =	simm.s32 @p1 $0x1  }
0x15: {  	[smem:$0x3FB0] =	sst s0;
	s0 =	simm.s32 @!p2 $0x0  }
0x16: {  	s3 =	sld [smem:$0x3FDB];
	s0 =	simm.s32 @p2 $0x1  }
0x17: {  	s4 =	simm.s32 $0x1BF5;
	[smem:$0x3FB2] =	sst s0  }
0x18: {  	s0 =	sld [smem:$0x3F95];
	_ =	swait.ge [sflag:s4], $0x0  }
0x19: {  	s7 =	sld [smem:$0x3F96]  }
0x1a: {  	s8 =	sadd.s32 $0xFFFFE003, lr  }
0x1b: {  	s9 =	sadd.s32 $0xFFFFFEF7, lr;
	s5 =	simm.s32 $0xFFFFFFFF;
	p2 =	slt.u32 s8, $0xFFFFF086  }
0x1c: {  	p1 =	slt.u32 s9, $0xF7A;
	s5 =	simm.s32 @!p2 $0x0  }
0x1d: {  	s5 =	simm.s32 @p1 $0x1;
	p0 =	seq.s32 s7, s2  }
0x1e: {  	s7 =	smul.u32 @!p0 $0xF7A, s2;
	p2 =	seq.s32 @!p0 s5, $0x0  }
0x1f: {  	s9 =	smul.u32 $0xF7A, s1;
	s8 =	simm.s32 @!p0 $0x1BF5;
	p2 =	por !p2, p0  }
0x20: {  	[sflag:s8] =	ssyncset.s32 @!p0 $0xFFFFF086;
	s6 =	sadd.s32 @!p0 s3, s7;
	s7 =	simm.s32 @!p0 $0x108  }
0x21: {  	s3 =	sadd.s32 s3, s9;
	s6 =	sadd.s32 @!p0 $0x88, s6;
	s7 =	simm.s32 @p2 $0x1082  }
0x22: {  	[simem:s7], [sflag:s8] =	dma.local @!p0 [hbm:s6], $0xF7A  }
0x23: {  	s9 =	sor.u32 $0xD0000000, s2;
	s6 =	simm.s32 $0x108;
	_ =	swait.ge @!p0 [sflag:s8], $0x0  }
0x24: {  	s3 =	sadd.s32 $0x88, s3;
	s6 =	simm.s32 @!p1 $0x1082;
	[sflag:s4] =	ssyncset.s32 $0xFFFFF086  }
0x25: {  	[simem:s6], [sflag:s4] =	dma.local [hbm:s3], $0xF7A  }
0x26: {  	[smem:$0x3F96] =	sst s1;
	(tag) =	ssettag s2;
	_ =	strace s9  }
0x27: {  	s1 =	sld [smem:$0x3FA6]  }
0x28: {  	s2 =	sld [smem:$0x3FA7]  }
0x29: {  	s4 =	sld [smem:$0x3FA9]  }
0x2a: {  	p0 =	seq.s32 s5, $0x0;
	s5 =	sld [smem:$0x3FAA]  }
0x2b: {  	s6 =	sld [smem:$0x3FAB]  }
0x2c: {  	s7 =	sld [smem:$0x3FAC]  }
0x2d: {  	s3 =	simm.s32 $0x108;
	s8 =	sld [smem:$0x3FAD]  }
0x2e: {  	s3 =	simm.s32 @!p0 $0x1082;
	s9 =	sld [smem:$0x3FAE]  }
0x2f: {  	lr =	sadd.s32 s0, s3;
	s0 =	sld [smem:$0x3FA5]  }
0x30: {  	s3 =	sld [smem:$0x3FA8]  }
0x31: {  	[smem:$0x3FB1] =	sst s10  }
0x32: {  	s10 =	sld [smem:$0x3FAF];
	_ =	sdelay $0x3  }
0x33: {  	p0 =	seq.s32 s10, $0x1;
	s10 =	sld [smem:$0x3FB1];
	_ =	sdelay $0x3  }
0x34: {  	[smem:$0x3FB1] =	sst s10  }
0x35: {  	s10 =	sld [smem:$0x3FB0];
	_ =	sdelay $0x3  }
0x36: {  	p1 =	seq.s32 s10, $0x1;
	s10 =	sld [smem:$0x3FB1];
	_ =	sdelay $0x3  }
0x37: {  	[smem:$0x3FB1] =	sst s10  }
0x38: {  	s10 =	sld [smem:$0x3FB2]  }
0x39: {  	_ = 	snop;
	(pc) =	sbr.ind lr, $3  }
0x3a: {  	_ = 	snop  }
0x3b: {  	_ = 	snop  }
0x3c: {  	p2 =	seq.s32 s10, $0x1;
	s10 =	sld [smem:$0x3FB1]  }
0x3d: {  	_ =	shalt  }
0x3e: {  	_ =	shalt  }
0x3f: {  	_ =	shalt  }
0x40: {  	_ =	shalt  }
0x41: {  	_ =	shalt  }
0x42: {  	_ =	shalt  }
0x43: {  	_ =	shalt  }
0x44: {  	_ =	shalt  }
0x45: {  	_ =	shalt  }
0x46: {  	_ =	shalt  }
0x47: {  	_ =	shalt  }
0x48: {  	_ =	shalt  }
0x49: {  	_ =	shalt  }
0x4a: {  	_ =	shalt  }
0x4b: {  	_ =	shalt  }
0x4c: {  	_ =	shalt  }
0x4d: {  	_ =	shalt  }
0x4e: {  	_ =	shalt  }
0x4f: {  	_ =	shalt  }
0x50: {  	_ =	shalt  }
0x51: {  	_ =	shalt  }
0x52: {  	_ =	shalt  }
0x53: {  	_ =	shalt  }
0x54: {  	_ =	shalt  }
0x55: {  	_ =	shalt  }
0x56: {  	_ =	shalt  }
0x57: {  	_ =	shalt  }
0x58: {  	_ =	shalt  }
0x59: {  	_ =	shalt  }
0x5a: {  	_ =	shalt  }
0x5b: {  	_ =	shalt  }
0x5c: {  	_ =	shalt  }
0x5d: {  	_ =	shalt  }
0x5e: {  	_ =	shalt  }
0x5f: {  	_ =	shalt  }
0x60: {  	_ =	shalt  }
0x61: {  	_ =	shalt  }
0x62: {  	_ =	shalt  }
0x63: {  	_ =	shalt  }
0x64: {  	_ =	shalt  }
0x65: {  	_ =	shalt  }
0x66: {  	_ =	shalt  }
0x67: {  	_ =	shalt  }
0x68: {  	_ =	shalt  }
0x69: {  	_ =	shalt  }
0x6a: {  	_ =	shalt  }
0x6b: {  	_ =	shalt  }
0x6c: {  	_ =	shalt  }
0x6d: {  	_ =	shalt  }
0x6e: {  	_ =	shalt  }
0x6f: {  	_ =	shalt  }
0x70: {  	_ =	shalt  }
0x71: {  	_ =	shalt  }
0x72: {  	_ =	shalt  }
0x73: {  	_ =	shalt  }
0x74: {  	_ =	shalt  }
0x75: {  	_ =	shalt  }
0x76: {  	_ =	shalt  }
0x77: {  	_ =	shalt  }
0x78: {  	_ =	shalt  }
0x79: {  	_ =	shalt  }
0x7a: {  	_ =	shalt  }
0x7b: {  	_ =	shalt  }
0x7c: {  	_ =	shalt  }
0x7d: {  	_ =	shalt  }
0x7e: {  	_ =	shalt  }
0x7f: {  	_ =	shalt  }
0x80: {  	_ =	shalt  }
0x81: {  	_ =	shalt  }
0x82: {  	_ =	shalt  }
0x83: {  	_ =	shalt  }
0x84: {  	_ =	shalt  }
0x85: {  	_ =	shalt  }
0x86: {  	_ =	shalt  }
0x87: {  	_ =	shalt  }
.Lfunc_end0:
.L_simem_size_0:
called_computation_lowered:
.L_overlay_start_0:
0x88: {  	s2 =	sld [smem:$0x3FD9]  }
0x89: {  	s3 =	sld [smem:$0x3FFE];
	_ =	sdelay $0x1  }
0x8a: {  	s1 =	srdreg.scid  }
0x8b: {  	s0 =	sand.u32 $0x1, s1  }
0x8c: {  	s17 =	sshll.u32 s0, $0xA;
	s2 =	sadd.s32 s3, s2  }
0x8d: {  	s2 =	sadd.s32 s2, s17  }
0x8e: {  	[smem:$0x3FBD] =	sst s2  }
0x8f: {  	_ = 	snop  }
0x90: {  	s2 =	sld [smem:$0x3FD0];
	(tm) =	ssettm $0x1  }
0x91: {  	s18 =	sld [smem:$0x3FFB];
	_ =	sdelay $0x3  }
0x92: {  	_ =	strace s18  }
0x93: {  	s3 =	sld [smem:$0x3FFC];
	_ =	sdelay $0x3  }
0x94: {  	_ =	strace s3  }
0x95: {  	s3 =	sld [smem:$0x3FFD];
	_ =	sdelay $0x3  }
0x96: {  	_ =	strace s3  }
0x97: {  	_ =	strace $0x8FFFFFFF  }
0x98: {  	s19 =	sld [smem:$0x3FDB];
	_ =	sdelay $0x1  }
0x99: {  	s4 =	simm.s32 $_scs_section_size  }
0x9a: {  	s5 =	simm.s32 $_size__tile_overlayer_lowered;
	s6 =	simm.s32 $_tile_overlayer_lowered  }
0x9b: {  	s22 =	simm.s32 $0x1BFF;
	s21 =	sshll.u32 s6, $0x1;
	s3 =	sadd.s32 s4, s19  }
0x9c: {  	s7 =	simm.s32 $0x0;
	s20 =	sshll.u32 s5, $0x1;
	s5 =	sadd.s32 s21, s3  }
0x9d: {  	[timem:s7], [sflag:s22] =	dma.local [hbm:s5], s20  }
0x9e: {  	_ =	swait.ge [sflag:s22], s20  }
0x9f: {  	s4 =	ssub.s32 $0x0, s20;
	[sflag:s22] =	ssyncset.done $0x0  }
0xa0: {  	[sflag:s22] =	ssyncadd.s32 s4;
	_ =	sdelay $0x1  }
0xa1: {  	s23 =	simm.s32 $0x1B8B  }
0xa2: {  	_ =	swait.ge [sflag:s23], $0x1  }
0xa3: {  	[sflag:s23] =	ssyncset.done $0x0  }
0xa4: {  	s25 =	simm.s32 $0x1B8E;
	s24 =	sld [smem:$0x3FFE];
	[sflag:s23] =	ssyncadd.s32 $0xFFFFFFFF  }
0xa5: {  	s26 =	simm.s32 $execute0_lowered;
	[smem:$0x3FD2] =	sst s25  }
0xa6: {  	s5 =	sshll.u32 s26, $0x1;
	_ =	strace $0x80000046;
	[dreg:$0x1] =	wrdreg $0xFFFFFFFF  }
0xa7: {  	s28 =	simm.s32 $_size_execute0_lowered;
	s3 =	sadd.s32 s3, s5;
	[dreg:$0x0] =	wrdreg $0x0  }
0xa8: {  	s5 =	sshll.u32 s28, $0x1;
	[dreg:$0x2] =	wrdreg s3  }
0xa9: {  	[dreg:$0x3] =	wrdreg s5  }
0xaa: {  	[dreg:$0x4] =	wrdreg $0xC0  }
0xab: {  	_ =	task [dreg:s7], $0x5FFFF  }
0xac: {  	[dreg:$0x1] =	wrdreg $0xFFFFFFFF  }
0xad: {  	[dreg:$0x0] =	wrdreg $0x60  }
0xae: {  	[dreg:$0x2] =	wrdreg s24  }
0xaf: {  	[dreg:$0x3] =	wrdreg s2  }
0xb0: {  	[dreg:$0x4] =	wrdreg $0x68000  }
0xb1: {  	[dreg:$0x5] =	wrdreg $0x9  }
0xb2: {  	_ =	task.clear_ibuf [dreg:s7], $0x6FFFF;
	_ =	strace $0x90000046  }
0xb3: {  	s29 =	simm.s32 $0x9;
	_ =	strace $0x80000048  }
0xb4: {  	_ =	swait.ge [sflag:s29], $0x1  }
0xb5: {  	[sflag:s29] =	ssyncadd.s32 $0xFFFFFFFF  }
0xb6: {  	_ =	strace $0x90000048  }
0xb7: {  	_ =	sfence  }
0xb8: {  	s30 =	sld [smem:$0x0];
	_ =	sdelay $0x2  }
0xb9: {  	s31 =	sshll.u32 s1, $0xD;
	s1 =	sshrl.u32 s1, $0x2  }
0xba: {  	s3 =	sand.u32 $0x4000, s31;
	s1 =	sadd.s32 s1, s30  }
0xbb: {  	s0 =	sor.u32 s3, s0;
	s1 =	sshll.u32 s1, $0x11  }
0xbc: {  	s0 =	sor.u32 s1, s0  }
0xbd: {  	s0 =	sadd.s32 $0x8F2B, s0  }
0xbe: {  	[sflag:s0] =	ssyncadd.remote.s32 $0x1  }
0xbf: {  	_ =	sfence.sel $0xFFFF  }
0xc0: {  	[dreg:$0x0] =	wrdreg $0xFFFFFFFF;
	(pc) =	sbr.abs _section_cstart, $3  }
0xc1: {  	[dreg:$0x1] =	wrdreg $0xFFFFFFFF  }
0xc2: {  	_ =	task.clear_ibuf [dreg:s7], $0x2FFFF;
	_ =	strace $0x9FFFFFFF  }
0xc3: {  	(tm) =	ssettm $0x7FFFFFFF  }
tec
execute0_lowered:
.L_overlay_start_1:
0x0: {  	(tag) =	ssettag $0x1  }
0x1: {  	s6 =	rddreg [dreg:$0x0]  }
0x2: {  	s1 =	srdreg.scid;
	s2 =	rddreg [dreg:$0x1]  }
0x3: {  	s0 =	stileid.u32;
	s3 =	rddreg [dreg:$0x2];
	s4 =	simm.s32 $0x0  }
0x4: {  	s13 =	simm.s32 $0x80;
	s14 =	simm.s32 $0x0;
	s9 =	smul.u32 $0x14000, s0  }
0x5: {  	s7 =	sand.u32 $0x1, s1;
	s28 =	sshll.u32 s0, $0x1;
	s29 =	smul.u32 $0x50000, s0  }
0x6: {  	[smem:$0x7FF] =	sst s4;
	s1 =	sor.u32 s7, s28;
	s8 =	smul.u32 $0x140000, s7  }
0x7: {  	s31 =	sshll.u32 s0, $0x6;
	s7 =	ssub.s32 $0x2, s7;
	s5 =	smul.u32 $0x500, s1  }
0x8: {  	s1 =	rddreg [dreg:$0x3];
	_ =	strace $0x80000047;
	s30 =	sshrl.u32 s7, $0x1  }
0x9: {  	s8 =	sadd.s32 s9, s8;
	s9 =	sshrl.u32 s29, $0x2;
	s11 =	ssub.s32 s7, s30  }
0xa: {  	s10 =	sadd.s32 s5, s6;
	s5 =	sadd.s32 $0x16A00, s6;
	s8 =	sshrl.u32 s8, $0x3  }
0xb: {  	s12 =	sadd.s32 s9, s3;
	s9 =	smax.u32 s11, $0x1;
	s11 =	simm.s32 $0x1  }
0xc: {  	s8 =	sadd.s32 s8, s6;
	s6 =	sor.u32 $0x1C01, s31;
	s7 =	sadd.s32 $0x2A00, s10  }
0xd: {  	s10 =	sshrl.u32 s12, $0x3;
	s12 =	simm.s32 $0x2800;
	s8 =	sadd.s32 $0x19200, s8  }
.LBB2_1:
0xe: {  	[spmem:s10], [sflag:s6] =	dma.local [hbm:s5], $0x2800  }
0xf: {  	_ =	swait.ge [sflag:s11], $0x2800  }
0x10: {  	[sflag:s11] =	ssyncset.done $0x0  }
0x11: {  	[sflag:s11] =	ssyncadd.s32 $0xFFFFD800  }
0x12: {  	[tilespmem:s12], [sflag:$0x1] =	stream.linear.gather [hbm4b:s2+s4], $0x4000, $0x38;
	[tilespmem:$0x1A800] =	vst v63  }
0x13: {  	_ =	swait.ge [sflag:s11], $0x4000  }
0x14: {  	[sflag:s11] =	ssyncset.done $0x0  }
0x15: {  	[sflag:s11] =	ssyncadd.s32 $0xFFFFC000  }
0x16: {  	[tilespmem:s4], [sflag:$0x1] =	stream.linear.gather [hbm4b:s7+s4], $0x2800, $0x38;
	[tilespmem:$0x1A800] =	vst v63  }
0x17: {  	_ =	swait.ge [sflag:s11], $0x2800  }
0x18: {  	[sflag:s11] =	ssyncset.done $0x0  }
0x19: {  	[sflag:s11] =	ssyncadd.s32 $0xFFFFD800  }
0x1a: {  	s15 =	simm.s32 $0x0;
	[bflag:$0x0] =	sbarrier.arrive $0xFFFF  }
0x1b: {  	[spmem:s3] =	stream.indirect.scatter.add.f32 [tilespmem:s12], [sflag:$0x1], $0x80, s15, s13, $0xb8;
	[tilespmem:$0x1A800] =	vst v63  }
0x1c: {  	_ =	swait.ge [sflag:s11], $0x4000  }
0x1d: {  	s15 =	simm.s32 $0x200;
	[sflag:s11] =	ssyncset.done $0x0  }
.LBB2_2:
0x1e: {  	s16 =	sshra.s32 s15, $0x2;
	[sflag:s11] =	ssyncadd.s32 $0xFFFFC000;
	p0 =	sne.s32 s15, $0x9E00  }
0x1f: {  	[spmem:s3] =	stream.indirect.scatter.add.f32 [tilespmem:s12], [sflag:$0x1], $0x80, s16, s13, $0xb8;
	[tilespmem:$0x1A800] =	vst v63  }
.Ltmp0:
0x20: {  	_ = 	snop;
	(pc) =	sbr.rel @p0 .LBB2_2-.Ltmp0, $4  }
0x21: {  	_ = 	snop  }
0x22: {  	s15 =	sadd.s32 $0x200, s15  }
0x23: {  	_ =	swait.ge [sflag:s11], $0x4000  }
0x24: {  	[sflag:s11] =	ssyncset.done $0x0  }
0x25: {  	s14 =	sadd.s32 $0x1, s14  }
0x26: {  	[sflag:s11] =	ssyncadd.s32 $0xFFFFC000;
	p0 =	sne.s32 s14, s9  }
.Ltmp1:
0x27: {  	[bflag:$0x0] =	sbarrier.arrive $0xFFFF;
	(pc) =	sbr.rel @p0 .LBB2_1-.Ltmp1, $4  }
0x28: {  	[hbm:s8], [sflag:s6] =	dma.local [spmem:s10], $0x2800  }
0x29: {  	_ =	swait.ge [sflag:s11], $0x2800  }
0x2a: {  	[sflag:s11] =	ssyncset.done $0x0  }
0x2b: {  	[sflag:s11] =	ssyncadd.s32 $0xFFFFD800  }
0x2c: {  	_ =	sfence.sel $0x180000  }
0x2d: {  	[bflag:$0x0] =	sbarrier.arrive $0xFFFF  }
0x2e: {  	p0 =	sne.s32 s0, $0x0;
	_ =	strace $0x90000047  }
0x2f: {  	s0 =	sadd.s32 @!p0 $0x100000, s1;
	[bflag:$0x2] =	sbarrier.arrive $0xFFFF  }
0x30: {  	[sflag:s0] =	ssyncadd.tile.s32 @!p0 $0x1;
	_ =	shalt  }
.Lfunc_end2:
_tile_overlayer_lowered:
.L_overlay_start_2:
0x31: {  	(tag) =	ssettag $0x2  }
0x32: {  	s0 =	rddreg [dreg:$0x0];
	s2 =	stileid.u32  }
0x33: {  	s1 =	rddreg [dreg:$0x1];
	p0 =	sne.s32 s2, $0x0  }
0x34: {  	s3 =	rddreg [dreg:$0x2];
	[bflag:$0x3] =	sbarrier.arrive $0xFFFF;
	s2 =	simm.s32 @!p0 $0x1C01  }
0x35: {  	[timem:s3], [sflag:s2] =	dma.local @!p0 [hbm:s0], s1  }
0x36: {  	s0 =	simm.s32 @!p0 $0x1  }
0x37: {  	_ =	swait.ge @!p0 [sflag:s0], s1  }
0x38: {  	s1 =	ssub.s32 @!p0 $0x0, s1;
	[sflag:s0] =	ssyncset.done @!p0 $0x0  }
0x39: {  	[sflag:s0] =	ssyncadd.s32 @!p0 s1  }
0x3a: {  	[bflag:$0x3] =	sbarrier.arrive $0xFFFF  }
0x3b: {  	_ =	shalt  }

</sc_bundles>
